<compile_context>
chip_gen: v7x
topology: tpu7x:2x2x1
jax: 0.10.2.dev20260603
libtpu: 0.0.44.dev20260713+nightly
codegen_flags: <defaults>
</compile_context>

<pallas_src>
import functools

import jax
import jax.numpy as jnp
from jax import lax
from jax.experimental import pallas as pl
from jax.experimental.pallas import tpu as pltpu
from jax.experimental.pallas import tpu_sc as plsc

NUM_CORES = 2
NUM_SUBCORES = 16
NUM_WORKERS = NUM_CORES * NUM_SUBCORES

B = 4096 * 200
D = 25
DP = 32
VOCAB = 100000
G = 128
K = 10
BATCH = K * G
GROUPS = B // G
G_PER_W = GROUPS // NUM_WORKERS
NB = G_PER_W // K
NI = NB // 2


@functools.partial(
    pl.kernel,
    out_type=jax.ShapeDtypeStruct((B, 128), jnp.float32),
    mesh=plsc.VectorSubcoreMesh(
        core_axis_name="c", subcore_axis_name="s",
        num_cores=NUM_CORES, num_subcores=NUM_SUBCORES),
    scratch_types=[
        pltpu.VMEM((BATCH,), jnp.int32),
        pltpu.VMEM((BATCH,), jnp.int32),
        pltpu.VMEM((BATCH, DP), jnp.float32),
        pltpu.VMEM((BATCH, DP), jnp.float32),
        pltpu.SemaphoreType.DMA,
        pltpu.SemaphoreType.DMA,
        pltpu.SemaphoreType.DMA,
        pltpu.SemaphoreType.DMA,
        pltpu.SemaphoreType.DMA,
        pltpu.SemaphoreType.DMA,
    ],
    compiler_params=pltpu.CompilerParams(use_tc_tiling_on_sc=False),
)
def _gather_kernel(table_hbm, idx_hbm, out_hbm,
                   idx0, idx1, rows0, rows1,
                   sem_i0, sem_i1, sem_g0, sem_g1, sem_o0, sem_o1):
    wid = lax.axis_index("s") * NUM_CORES + lax.axis_index("c")
    row_base = wid * G_PER_W * G

    def fire_idx(b, idx_v, sem):
        return pltpu.async_copy(
            idx_hbm.at[pl.ds(row_base + b * BATCH, BATCH)], idx_v, sem)

    def wait_idx(idx_v, sem):
        pltpu.make_async_copy(idx_hbm.at[pl.ds(0, BATCH)], idx_v, sem).wait()

    def fire_gathers(idx_v, rows_v, sem):
        return [
            pltpu.async_copy(
                table_hbm.at[idx_v.at[pl.ds(j * G, G)]],
                rows_v.at[pl.ds(j * G, G)],
                sem,
            )
            for j in range(K)
        ]

    def fire_out(b, rows_v, sem):
        return pltpu.async_copy(
            rows_v,
            out_hbm.at[pl.ds(row_base + b * BATCH, BATCH), pl.ds(0, DP)],
            sem)

    def drain_out(rows_v, sem):
        pltpu.make_async_copy(
            rows_v, out_hbm.at[pl.ds(0, BATCH), pl.ds(0, DP)], sem).wait()

    fire_idx(0, idx0, sem_i0)
    fire_idx(1, idx1, sem_i1)

    def body(i, _):
        b0 = 2 * i
        b1 = b0 + 1

        @pl.when(i > 0)
        def _():
            drain_out(rows0, sem_o0)
        wait_idx(idx0, sem_i0)
        g0 = fire_gathers(idx0, rows0, sem_g0)

        @pl.when(i > 0)
        def _():
            drain_out(rows1, sem_o1)
        wait_idx(idx1, sem_i1)
        g1 = fire_gathers(idx1, rows1, sem_g1)

        for cp in g0:
            cp.wait()
        fire_out(b0, rows0, sem_o0)

        @pl.when(i < NI - 1)
        def _():
            fire_idx(b0 + 2, idx0, sem_i0)

        for cp in g1:
            cp.wait()
        fire_out(b1, rows1, sem_o1)

        @pl.when(i < NI - 1)
        def _():
            fire_idx(b1 + 2, idx1, sem_i1)
        return ()

    lax.fori_loop(0, NI, body, ())

    drain_out(rows0, sem_o0)
    drain_out(rows1, sem_o1)


def kernel(x, table):
    idx = x.T.reshape(-1).astype(jnp.int32)
    table_p = jnp.pad(table, ((0, 0), (0, DP - D)))
    out = _gather_kernel(table_p, idx)
    n_r, n_c = x.shape
    return out[:, :D].reshape(n_c, n_r, D).transpose(1, 0, 2)

# --- scband reference (transcript-rebuilt; emitter-appended) ---
"""Pipeline reference for scband-glove25-embedding-7627861918417 (READ-ONLY COPY).

The authoritative reference and input builder live on the scoring server;
editing this copy changes nothing except your own understanding.
"""

import jax, jax.numpy as jnp
import numpy as np

VOCAB = 100000
EMBED_DIM = 25

def setup_inputs(seed: int = 0) -> dict:
    key = jax.random.key(seed)
    k1, k2 = jax.random.split(key)
    x = jax.random.randint(k1, (4096, 200), 0, VOCAB, dtype=jnp.int64)
    table = jax.random.normal(k2, (VOCAB, EMBED_DIM), dtype=jnp.float32)
    return {"x": x, "table": table}

def reference(x, table):
    # x[x >= num_embeddings] = 0 (functional equivalent)
    num_embeddings = table.shape[0]
    x_safe = jnp.where(x >= num_embeddings, 0, x).astype(jnp.int32)
    out = jnp.take(table, x_safe, axis=0).astype(jnp.float32)
    return out

if __name__ == "__main__":
    import jax
    _d = setup_inputs()
    print(jax.jit(kernel)(*tuple(_d.values())))

</pallas_src>

<mosaic_0001>
#map = affine_map<(d0, d1) -> (0, 0)>
#map1 = affine_map<(d0, d1) -> (0)>
module attributes {stable_mosaic.version = 14 : i64} {
  func.func @_gather_kernel(%arg0: i32, %arg1: i32, %arg2: memref<100000x32xf32, #tpu.memory_space<hbm>>, %arg3: memref<819200xi32, #tpu.memory_space<hbm>>, %arg4: memref<819200x128xf32, #tpu.memory_space<hbm>>, %arg5: memref<1280xi32, #tpu.memory_space<vmem>>, %arg6: memref<1280xi32, #tpu.memory_space<vmem>>, %arg7: memref<1280x32xf32, #tpu.memory_space<vmem>>, %arg8: memref<1280x32xf32, #tpu.memory_space<vmem>>, %arg9: memref<!tpu.dma_semaphore, #tpu.memory_space<semaphore_mem>>, %arg10: memref<!tpu.dma_semaphore, #tpu.memory_space<semaphore_mem>>, %arg11: memref<!tpu.dma_semaphore, #tpu.memory_space<semaphore_mem>>, %arg12: memref<!tpu.dma_semaphore, #tpu.memory_space<semaphore_mem>>, %arg13: memref<!tpu.dma_semaphore, #tpu.memory_space<semaphore_mem>>, %arg14: memref<!tpu.dma_semaphore, #tpu.memory_space<semaphore_mem>>) attributes {dimension_semantics = [#tpu.dimension_semantics<core_parallel>, #tpu.dimension_semantics<subcore_parallel>], iteration_bounds = array<i64: 2, 16>, scalar_prefetch = 0 : i64, scratch_operands = 10 : i64, tpu.core_type = #tpu.core_type<sc_vector_subcore>, window_params = [{transform_indices = #map}, {transform_indices = #map1}, {transform_indices = #map}]} {
    %mul3A = arith.constant 2 : i32
    %mul3A_0 = arith.muli %arg1, %mul3A : i32
    %add3A = arith.addi %mul3A_0, %arg0 : i32
    %mul3A_1 = arith.constant 200 : i32
    %mul3A_2 = arith.muli %add3A, %mul3A_1 : i32
    %mul3A_3 = arith.constant 128 : i32
    %mul3A_4 = arith.muli %mul3A_2, %mul3A_3 : i32
    %add3A_5 = arith.constant 0 : i32
    %add3A_6 = arith.addi %mul3A_4, %add3A_5 : i32
    %dma_start3A = tpu.memref_slice %arg3[%add3A_6] : memref<819200xi32, #tpu.memory_space<hbm>> -> memref<1280xi32, #tpu.memory_space<hbm>>
    %dma_start3A_7 = tpu.memref_slice %arg3[%add3A_6] : memref<819200xi32, #tpu.memory_space<hbm>> -> memref<1280xi32, #tpu.memory_space<hbm>>
    tpu.enqueue_dma source(%dma_start3A_7 : memref<1280xi32, #tpu.memory_space<hbm>>) target(%arg5 : memref<1280xi32, #tpu.memory_space<vmem>>) target_semaphore(%arg9 : memref<!tpu.dma_semaphore, #tpu.memory_space<semaphore_mem>>)
    %add3A_8 = arith.constant 1280 : i32
    %add3A_9 = arith.addi %mul3A_4, %add3A_8 : i32
    %dma_start3A_10 = tpu.memref_slice %arg3[%add3A_9] : memref<819200xi32, #tpu.memory_space<hbm>> -> memref<1280xi32, #tpu.memory_space<hbm>>
    %dma_start3A_11 = tpu.memref_slice %arg3[%add3A_9] : memref<819200xi32, #tpu.memory_space<hbm>> -> memref<1280xi32, #tpu.memory_space<hbm>>
    tpu.enqueue_dma source(%dma_start3A_11 : memref<1280xi32, #tpu.memory_space<hbm>>) target(%arg6 : memref<1280xi32, #tpu.memory_space<vmem>>) target_semaphore(%arg10 : memref<!tpu.dma_semaphore, #tpu.memory_space<semaphore_mem>>)
    %scan3A = arith.constant 0 : i32
    %scan3A_12 = arith.constant 10 : i32
    %scan3A_13 = arith.addi %scan3A, %scan3A_12 : i32
    %scan3A_14 = arith.constant 1 : i32
    scf.for %scan3A_27 = %scan3A to %scan3A_13 step %scan3A_14  : i32 {
      %mul3A_28 = arith.constant 2 : i32
      %mul3A_29 = arith.muli %mul3A_28, %scan3A_27 : i32
      %add3A_30 = arith.constant 1 : i32
      %add3A_31 = arith.addi %mul3A_29, %add3A_30 : i32
      %gt3A = arith.constant 0 : i32
      %gt3A_32 = arith.cmpi sgt, %scan3A_27, %gt3A : i32
      %convert_element_type3A = arith.extui %gt3A_32 : i1 to i32
      %cond3A = arith.constant 0 : i32
      %cond3A_33 = arith.cmpi ne, %convert_element_type3A, %cond3A : i32
      scf.if %cond3A_33 {
        %dma_wait3A_390 = arith.constant 0 : i32
        %dma_wait3A_391 = arith.constant 0 : i32
        %dma_wait3A_392 = tpu.memref_slice %arg4[%dma_wait3A_390, %dma_wait3A_391] : memref<819200x128xf32, #tpu.memory_space<hbm>> -> memref<1280x32xf32, #tpu.memory_space<hbm>>
        %dma_wait3A_393 = arith.constant 0 : i32
        %dma_wait3A_394 = arith.constant 0 : i32
        %dma_wait3A_395 = tpu.memref_slice %arg4[%dma_wait3A_393, %dma_wait3A_394] : memref<819200x128xf32, #tpu.memory_space<hbm>> -> memref<1280x32xf32, #tpu.memory_space<hbm>>
        tpu.wait_dma2 semaphore(%arg13 : memref<!tpu.dma_semaphore, #tpu.memory_space<semaphore_mem>>) src(%arg7 : memref<1280x32xf32, #tpu.memory_space<vmem>>) dst(%dma_wait3A_395 : memref<1280x32xf32, #tpu.memory_space<hbm>>)
      } else {
      }
      %dma_wait3A_34 = arith.constant 0 : i32
      %dma_wait3A_35 = tpu.memref_slice %arg3[%dma_wait3A_34] : memref<819200xi32, #tpu.memory_space<hbm>> -> memref<1280xi32, #tpu.memory_space<hbm>>
      %dma_wait3A_36 = arith.constant 0 : i32
      %dma_wait3A_37 = tpu.memref_slice %arg3[%dma_wait3A_36] : memref<819200xi32, #tpu.memory_space<hbm>> -> memref<1280xi32, #tpu.memory_space<hbm>>
      tpu.wait_dma2 semaphore(%arg9 : memref<!tpu.dma_semaphore, #tpu.memory_space<semaphore_mem>>) src(%dma_wait3A_37 : memref<1280xi32, #tpu.memory_space<hbm>>) dst(%arg5 : memref<1280xi32, #tpu.memory_space<vmem>>)
      %dma_start3A_38 = arith.constant 0 : i32
      %dma_start3A_39 = arith.constant 0 : i32
      %dma_start3A_40 = tpu.memref_slice %arg7[%dma_start3A_38, %dma_start3A_39] : memref<1280x32xf32, #tpu.memory_space<vmem>> -> memref<128x32xf32, #tpu.memory_space<vmem>>
      %dma_start3A_41 = arith.constant 0 : i32
      %dma_start3A_42 = tpu.memref_slice %arg5[%dma_start3A_41] : memref<1280xi32, #tpu.memory_space<vmem>> -> memref<128xi32, #tpu.memory_space<vmem>>
      %dma_start3A_43 = arith.constant 0 : i32
      %dma_start3A_44 = arith.constant 0 : i32
      %dma_start3A_45 = tpu.memref_slice %arg2[%dma_start3A_43, %dma_start3A_44] : memref<100000x32xf32, #tpu.memory_space<hbm>> -> memref<100000x32xf32, #tpu.memory_space<hbm>>
      tpu.enqueue_indirect_dma source(%dma_start3A_45 : memref<100000x32xf32, #tpu.memory_space<hbm>>) target(%dma_start3A_40 : memref<128x32xf32, #tpu.memory_space<vmem>>) offsets(%dma_start3A_42 : memref<128xi32, #tpu.memory_space<vmem>>) semaphore(%arg11 : memref<!tpu.dma_semaphore, #tpu.memory_space<semaphore_mem>>)
      %dma_start3A_46 = arith.constant 128 : i32
      %dma_start3A_47 = arith.constant 0 : i32
      %dma_start3A_48 = tpu.memref_slice %arg7[%dma_start3A_46, %dma_start3A_47] : memref<1280x32xf32, #tpu.memory_space<vmem>> -> memref<128x32xf32, #tpu.memory_space<vmem>>
      %dma_start3A_49 = arith.constant 128 : i32
      %dma_start3A_50 = tpu.memref_slice %arg5[%dma_start3A_49] : memref<1280xi32, #tpu.memory_space<vmem>> -> memref<128xi32, #tpu.memory_space<vmem>>
      %dma_start3A_51 = arith.constant 0 : i32
      %dma_start3A_52 = arith.constant 0 : i32
      %dma_start3A_53 = tpu.memref_slice %arg2[%dma_start3A_51, %dma_start3A_52] : memref<100000x32xf32, #tpu.memory_space<hbm>> -> memref<100000x32xf32, #tpu.memory_space<hbm>>
      tpu.enqueue_indirect_dma source(%dma_start3A_53 : memref<100000x32xf32, #tpu.memory_space<hbm>>) target(%dma_start3A_48 : memref<128x32xf32, #tpu.memory_space<vmem>>) offsets(%dma_start3A_50 : memref<128xi32, #tpu.memory_space<vmem>>) semaphore(%arg11 : memref<!tpu.dma_semaphore, #tpu.memory_space<semaphore_mem>>)
      %dma_start3A_54 = arith.constant 256 : i32
      %dma_start3A_55 = arith.constant 0 : i32
      %dma_start3A_56 = tpu.memref_slice %arg7[%dma_start3A_54, %dma_start3A_55] : memref<1280x32xf32, #tpu.memory_space<vmem>> -> memref<128x32xf32, #tpu.memory_space<vmem>>
      %dma_start3A_57 = arith.constant 256 : i32
      %dma_start3A_58 = tpu.memref_slice %arg5[%dma_start3A_57] : memref<1280xi32, #tpu.memory_space<vmem>> -> memref<128xi32, #tpu.memory_space<vmem>>
      %dma_start3A_59 = arith.constant 0 : i32
      %dma_start3A_60 = arith.constant 0 : i32
      %dma_start3A_61 = tpu.memref_slice %arg2[%dma_start3A_59, %dma_start3A_60] : memref<100000x32xf32, #tpu.memory_space<hbm>> -> memref<100000x32xf32, #tpu.memory_space<hbm>>
      tpu.enqueue_indirect_dma source(%dma_start3A_61 : memref<100000x32xf32, #tpu.memory_space<hbm>>) target(%dma_start3A_56 : memref<128x32xf32, #tpu.memory_space<vmem>>) offsets(%dma_start3A_58 : memref<128xi32, #tpu.memory_space<vmem>>) semaphore(%arg11 : memref<!tpu.dma_semaphore, #tpu.memory_space<semaphore_mem>>)
      %dma_start3A_62 = arith.constant 384 : i32
      %dma_start3A_63 = arith.constant 0 : i32
      %dma_start3A_64 = tpu.memref_slice %arg7[%dma_start3A_62, %dma_start3A_63] : memref<1280x32xf32, #tpu.memory_space<vmem>> -> memref<128x32xf32, #tpu.memory_space<vmem>>
      %dma_start3A_65 = arith.constant 384 : i32
      %dma_start3A_66 = tpu.memref_slice %arg5[%dma_start3A_65] : memref<1280xi32, #tpu.memory_space<vmem>> -> memref<128xi32, #tpu.memory_space<vmem>>
      %dma_start3A_67 = arith.constant 0 : i32
      %dma_start3A_68 = arith.constant 0 : i32
      %dma_start3A_69 = tpu.memref_slice %arg2[%dma_start3A_67, %dma_start3A_68] : memref<100000x32xf32, #tpu.memory_space<hbm>> -> memref<100000x32xf32, #tpu.memory_space<hbm>>
      tpu.enqueue_indirect_dma source(%dma_start3A_69 : memref<100000x32xf32, #tpu.memory_space<hbm>>) target(%dma_start3A_64 : memref<128x32xf32, #tpu.memory_space<vmem>>) offsets(%dma_start3A_66 : memref<128xi32, #tpu.memory_space<vmem>>) semaphore(%arg11 : memref<!tpu.dma_semaphore, #tpu.memory_space<semaphore_mem>>)
      %dma_start3A_70 = arith.constant 512 : i32
      %dma_start3A_71 = arith.constant 0 : i32
      %dma_start3A_72 = tpu.memref_slice %arg7[%dma_start3A_70, %dma_start3A_71] : memref<1280x32xf32, #tpu.memory_space<vmem>> -> memref<128x32xf32, #tpu.memory_space<vmem>>
      %dma_start3A_73 = arith.constant 512 : i32
      %dma_start3A_74 = tpu.memref_slice %arg5[%dma_start3A_73] : memref<1280xi32, #tpu.memory_space<vmem>> -> memref<128xi32, #tpu.memory_space<vmem>>
      %dma_start3A_75 = arith.constant 0 : i32
      %dma_start3A_76 = arith.constant 0 : i32
      %dma_start3A_77 = tpu.memref_slice %arg2[%dma_start3A_75, %dma_start3A_76] : memref<100000x32xf32, #tpu.memory_space<hbm>> -> memref<100000x32xf32, #tpu.memory_space<hbm>>
      tpu.enqueue_indirect_dma source(%dma_start3A_77 : memref<100000x32xf32, #tpu.memory_space<hbm>>) target(%dma_start3A_72 : memref<128x32xf32, #tpu.memory_space<vmem>>) offsets(%dma_start3A_74 : memref<128xi32, #tpu.memory_space<vmem>>) semaphore(%arg11 : memref<!tpu.dma_semaphore, #tpu.memory_space<semaphore_mem>>)
      %dma_start3A_78 = arith.constant 640 : i32
      %dma_start3A_79 = arith.constant 0 : i32
      %dma_start3A_80 = tpu.memref_slice %arg7[%dma_start3A_78, %dma_start3A_79] : memref<1280x32xf32, #tpu.memory_space<vmem>> -> memref<128x32xf32, #tpu.memory_space<vmem>>
      %dma_start3A_81 = arith.constant 640 : i32
      %dma_start3A_82 = tpu.memref_slice %arg5[%dma_start3A_81] : memref<1280xi32, #tpu.memory_space<vmem>> -> memref<128xi32, #tpu.memory_space<vmem>>
      %dma_start3A_83 = arith.constant 0 : i32
      %dma_start3A_84 = arith.constant 0 : i32
      %dma_start3A_85 = tpu.memref_slice %arg2[%dma_start3A_83, %dma_start3A_84] : memref<100000x32xf32, #tpu.memory_space<hbm>> -> memref<100000x32xf32, #tpu.memory_space<hbm>>
      tpu.enqueue_indirect_dma source(%dma_start3A_85 : memref<100000x32xf32, #tpu.memory_space<hbm>>) target(%dma_start3A_80 : memref<128x32xf32, #tpu.memory_space<vmem>>) offsets(%dma_start3A_82 : memref<128xi32, #tpu.memory_space<vmem>>) semaphore(%arg11 : memref<!tpu.dma_semaphore, #tpu.memory_space<semaphore_mem>>)
      %dma_start3A_86 = arith.constant 768 : i32
      %dma_start3A_87 = arith.constant 0 : i32
      %dma_start3A_88 = tpu.memref_slice %arg7[%dma_start3A_86, %dma_start3A_87] : memref<1280x32xf32, #tpu.memory_space<vmem>> -> memref<128x32xf32, #tpu.memory_space<vmem>>
      %dma_start3A_89 = arith.constant 768 : i32
      %dma_start3A_90 = tpu.memref_slice %arg5[%dma_start3A_89] : memref<1280xi32, #tpu.memory_space<vmem>> -> memref<128xi32, #tpu.memory_space<vmem>>
      %dma_start3A_91 = arith.constant 0 : i32
      %dma_start3A_92 = arith.constant 0 : i32
      %dma_start3A_93 = tpu.memref_slice %arg2[%dma_start3A_91, %dma_start3A_92] : memref<100000x32xf32, #tpu.memory_space<hbm>> -> memref<100000x32xf32, #tpu.memory_space<hbm>>
      tpu.enqueue_indirect_dma source(%dma_start3A_93 : memref<100000x32xf32, #tpu.memory_space<hbm>>) target(%dma_start3A_88 : memref<128x32xf32, #tpu.memory_space<vmem>>) offsets(%dma_start3A_90 : memref<128xi32, #tpu.memory_space<vmem>>) semaphore(%arg11 : memref<!tpu.dma_semaphore, #tpu.memory_space<semaphore_mem>>)
      %dma_start3A_94 = arith.constant 896 : i32
      %dma_start3A_95 = arith.constant 0 : i32
      %dma_start3A_96 = tpu.memref_slice %arg7[%dma_start3A_94, %dma_start3A_95] : memref<1280x32xf32, #tpu.memory_space<vmem>> -> memref<128x32xf32, #tpu.memory_space<vmem>>
      %dma_start3A_97 = arith.constant 896 : i32
      %dma_start3A_98 = tpu.memref_slice %arg5[%dma_start3A_97] : memref<1280xi32, #tpu.memory_space<vmem>> -> memref<128xi32, #tpu.memory_space<vmem>>
      %dma_start3A_99 = arith.constant 0 : i32
      %dma_start3A_100 = arith.constant 0 : i32
      %dma_start3A_101 = tpu.memref_slice %arg2[%dma_start3A_99, %dma_start3A_100] : memref<100000x32xf32, #tpu.memory_space<hbm>> -> memref<100000x32xf32, #tpu.memory_space<hbm>>
      tpu.enqueue_indirect_dma source(%dma_start3A_101 : memref<100000x32xf32, #tpu.memory_space<hbm>>) target(%dma_start3A_96 : memref<128x32xf32, #tpu.memory_space<vmem>>) offsets(%dma_start3A_98 : memref<128xi32, #tpu.memory_space<vmem>>) semaphore(%arg11 : memref<!tpu.dma_semaphore, #tpu.memory_space<semaphore_mem>>)
      %dma_start3A_102 = arith.constant 1024 : i32
      %dma_start3A_103 = arith.constant 0 : i32
      %dma_start3A_104 = tpu.memref_slice %arg7[%dma_start3A_102, %dma_start3A_103] : memref<1280x32xf32, #tpu.memory_space<vmem>> -> memref<128x32xf32, #tpu.memory_space<vmem>>
      %dma_start3A_105 = arith.constant 1024 : i32
      %dma_start3A_106 = tpu.memref_slice %arg5[%dma_start3A_105] : memref<1280xi32, #tpu.memory_space<vmem>> -> memref<128xi32, #tpu.memory_space<vmem>>
      %dma_start3A_107 = arith.constant 0 : i32
      %dma_start3A_108 = arith.constant 0 : i32
      %dma_start3A_109 = tpu.memref_slice %arg2[%dma_start3A_107, %dma_start3A_108] : memref<100000x32xf32, #tpu.memory_space<hbm>> -> memref<100000x32xf32, #tpu.memory_space<hbm>>
      tpu.enqueue_indirect_dma source(%dma_start3A_109 : memref<100000x32xf32, #tpu.memory_space<hbm>>) target(%dma_start3A_104 : memref<128x32xf32, #tpu.memory_space<vmem>>) offsets(%dma_start3A_106 : memref<128xi32, #tpu.memory_space<vmem>>) semaphore(%arg11 : memref<!tpu.dma_semaphore, #tpu.memory_space<semaphore_mem>>)
      %dma_start3A_110 = arith.constant 1152 : i32
      %dma_start3A_111 = arith.constant 0 : i32
      %dma_start3A_112 = tpu.memref_slice %arg7[%dma_start3A_110, %dma_start3A_111] : memref<1280x32xf32, #tpu.memory_space<vmem>> -> memref<128x32xf32, #tpu.memory_space<vmem>>
      %dma_start3A_113 = arith.constant 1152 : i32
      %dma_start3A_114 = tpu.memref_slice %arg5[%dma_start3A_113] : memref<1280xi32, #tpu.memory_space<vmem>> -> memref<128xi32, #tpu.memory_space<vmem>>
      %dma_start3A_115 = arith.constant 0 : i32
      %dma_start3A_116 = arith.constant 0 : i32
      %dma_start3A_117 = tpu.memref_slice %arg2[%dma_start3A_115, %dma_start3A_116] : memref<100000x32xf32, #tpu.memory_space<hbm>> -> memref<100000x32xf32, #tpu.memory_space<hbm>>
      tpu.enqueue_indirect_dma source(%dma_start3A_117 : memref<100000x32xf32, #tpu.memory_space<hbm>>) target(%dma_start3A_112 : memref<128x32xf32, #tpu.memory_space<vmem>>) offsets(%dma_start3A_114 : memref<128xi32, #tpu.memory_space<vmem>>) semaphore(%arg11 : memref<!tpu.dma_semaphore, #tpu.memory_space<semaphore_mem>>)
      %gt3A_118 = arith.constant 0 : i32
      %gt3A_119 = arith.cmpi sgt, %scan3A_27, %gt3A_118 : i32
      %convert_element_type3A_120 = arith.extui %gt3A_119 : i1 to i32
      %cond3A_121 = arith.constant 0 : i32
      %cond3A_122 = arith.cmpi ne, %convert_element_type3A_120, %cond3A_121 : i32
      scf.if %cond3A_122 {
        %dma_wait3A_390 = arith.constant 0 : i32
        %dma_wait3A_391 = arith.constant 0 : i32
        %dma_wait3A_392 = tpu.memref_slice %arg4[%dma_wait3A_390, %dma_wait3A_391] : memref<819200x128xf32, #tpu.memory_space<hbm>> -> memref<1280x32xf32, #tpu.memory_space<hbm>>
        %dma_wait3A_393 = arith.constant 0 : i32
        %dma_wait3A_394 = arith.constant 0 : i32
        %dma_wait3A_395 = tpu.memref_slice %arg4[%dma_wait3A_393, %dma_wait3A_394] : memref<819200x128xf32, #tpu.memory_space<hbm>> -> memref<1280x32xf32, #tpu.memory_space<hbm>>
        tpu.wait_dma2 semaphore(%arg14 : memref<!tpu.dma_semaphore, #tpu.memory_space<semaphore_mem>>) src(%arg8 : memref<1280x32xf32, #tpu.memory_space<vmem>>) dst(%dma_wait3A_395 : memref<1280x32xf32, #tpu.memory_space<hbm>>)
      } else {
      }
      %dma_wait3A_123 = arith.constant 0 : i32
      %dma_wait3A_124 = tpu.memref_slice %arg3[%dma_wait3A_123] : memref<819200xi32, #tpu.memory_space<hbm>> -> memref<1280xi32, #tpu.memory_space<hbm>>
      %dma_wait3A_125 = arith.constant 0 : i32
      %dma_wait3A_126 = tpu.memref_slice %arg3[%dma_wait3A_125] : memref<819200xi32, #tpu.memory_space<hbm>> -> memref<1280xi32, #tpu.memory_space<hbm>>
      tpu.wait_dma2 semaphore(%arg10 : memref<!tpu.dma_semaphore, #tpu.memory_space<semaphore_mem>>) src(%dma_wait3A_126 : memref<1280xi32, #tpu.memory_space<hbm>>) dst(%arg6 : memref<1280xi32, #tpu.memory_space<vmem>>)
      %dma_start3A_127 = arith.constant 0 : i32
      %dma_start3A_128 = arith.constant 0 : i32
      %dma_start3A_129 = tpu.memref_slice %arg8[%dma_start3A_127, %dma_start3A_128] : memref<1280x32xf32, #tpu.memory_space<vmem>> -> memref<128x32xf32, #tpu.memory_space<vmem>>
      %dma_start3A_130 = arith.constant 0 : i32
      %dma_start3A_131 = tpu.memref_slice %arg6[%dma_start3A_130] : memref<1280xi32, #tpu.memory_space<vmem>> -> memref<128xi32, #tpu.memory_space<vmem>>
      %dma_start3A_132 = arith.constant 0 : i32
      %dma_start3A_133 = arith.constant 0 : i32
      %dma_start3A_134 = tpu.memref_slice %arg2[%dma_start3A_132, %dma_start3A_133] : memref<100000x32xf32, #tpu.memory_space<hbm>> -> memref<100000x32xf32, #tpu.memory_space<hbm>>
      tpu.enqueue_indirect_dma source(%dma_start3A_134 : memref<100000x32xf32, #tpu.memory_space<hbm>>) target(%dma_start3A_129 : memref<128x32xf32, #tpu.memory_space<vmem>>) offsets(%dma_start3A_131 : memref<128xi32, #tpu.memory_space<vmem>>) semaphore(%arg12 : memref<!tpu.dma_semaphore, #tpu.memory_space<semaphore_mem>>)
      %dma_start3A_135 = arith.constant 128 : i32
      %dma_start3A_136 = arith.constant 0 : i32
      %dma_start3A_137 = tpu.memref_slice %arg8[%dma_start3A_135, %dma_start3A_136] : memref<1280x32xf32, #tpu.memory_space<vmem>> -> memref<128x32xf32, #tpu.memory_space<vmem>>
      %dma_start3A_138 = arith.constant 128 : i32
      %dma_start3A_139 = tpu.memref_slice %arg6[%dma_start3A_138] : memref<1280xi32, #tpu.memory_space<vmem>> -> memref<128xi32, #tpu.memory_space<vmem>>
      %dma_start3A_140 = arith.constant 0 : i32
      %dma_start3A_141 = arith.constant 0 : i32
      %dma_start3A_142 = tpu.memref_slice %arg2[%dma_start3A_140, %dma_start3A_141] : memref<100000x32xf32, #tpu.memory_space<hbm>> -> memref<100000x32xf32, #tpu.memory_space<hbm>>
      tpu.enqueue_indirect_dma source(%dma_start3A_142 : memref<100000x32xf32, #tpu.memory_space<hbm>>) target(%dma_start3A_137 : memref<128x32xf32, #tpu.memory_space<vmem>>) offsets(%dma_start3A_139 : memref<128xi32, #tpu.memory_space<vmem>>) semaphore(%arg12 : memref<!tpu.dma_semaphore, #tpu.memory_space<semaphore_mem>>)
      %dma_start3A_143 = arith.constant 256 : i32
      %dma_start3A_144 = arith.constant 0 : i32
      %dma_start3A_145 = tpu.memref_slice %arg8[%dma_start3A_143, %dma_start3A_144] : memref<1280x32xf32, #tpu.memory_space<vmem>> -> memref<128x32xf32, #tpu.memory_space<vmem>>
      %dma_start3A_146 = arith.constant 256 : i32
      %dma_start3A_147 = tpu.memref_slice %arg6[%dma_start3A_146] : memref<1280xi32, #tpu.memory_space<vmem>> -> memref<128xi32, #tpu.memory_space<vmem>>
      %dma_start3A_148 = arith.constant 0 : i32
      %dma_start3A_149 = arith.constant 0 : i32
      %dma_start3A_150 = tpu.memref_slice %arg2[%dma_start3A_148, %dma_start3A_149] : memref<100000x32xf32, #tpu.memory_space<hbm>> -> memref<100000x32xf32, #tpu.memory_space<hbm>>
      tpu.enqueue_indirect_dma source(%dma_start3A_150 : memref<100000x32xf32, #tpu.memory_space<hbm>>) target(%dma_start3A_145 : memref<128x32xf32, #tpu.memory_space<vmem>>) offsets(%dma_start3A_147 : memref<128xi32, #tpu.memory_space<vmem>>) semaphore(%arg12 : memref<!tpu.dma_semaphore, #tpu.memory_space<semaphore_mem>>)
      %dma_start3A_151 = arith.constant 384 : i32
      %dma_start3A_152 = arith.constant 0 : i32
      %dma_start3A_153 = tpu.memref_slice %arg8[%dma_start3A_151, %dma_start3A_152] : memref<1280x32xf32, #tpu.memory_space<vmem>> -> memref<128x32xf32, #tpu.memory_space<vmem>>
      %dma_start3A_154 = arith.constant 384 : i32
      %dma_start3A_155 = tpu.memref_slice %arg6[%dma_start3A_154] : memref<1280xi32, #tpu.memory_space<vmem>> -> memref<128xi32, #tpu.memory_space<vmem>>
      %dma_start3A_156 = arith.constant 0 : i32
      %dma_start3A_157 = arith.constant 0 : i32
      %dma_start3A_158 = tpu.memref_slice %arg2[%dma_start3A_156, %dma_start3A_157] : memref<100000x32xf32, #tpu.memory_space<hbm>> -> memref<100000x32xf32, #tpu.memory_space<hbm>>
      tpu.enqueue_indirect_dma source(%dma_start3A_158 : memref<100000x32xf32, #tpu.memory_space<hbm>>) target(%dma_start3A_153 : memref<128x32xf32, #tpu.memory_space<vmem>>) offsets(%dma_start3A_155 : memref<128xi32, #tpu.memory_space<vmem>>) semaphore(%arg12 : memref<!tpu.dma_semaphore, #tpu.memory_space<semaphore_mem>>)
      %dma_start3A_159 = arith.constant 512 : i32
      %dma_start3A_160 = arith.constant 0 : i32
      %dma_start3A_161 = tpu.memref_slice %arg8[%dma_start3A_159, %dma_start3A_160] : memref<1280x32xf32, #tpu.memory_space<vmem>> -> memref<128x32xf32, #tpu.memory_space<vmem>>
      %dma_start3A_162 = arith.constant 512 : i32
      %dma_start3A_163 = tpu.memref_slice %arg6[%dma_start3A_162] : memref<1280xi32, #tpu.memory_space<vmem>> -> memref<128xi32, #tpu.memory_space<vmem>>
      %dma_start3A_164 = arith.constant 0 : i32
      %dma_start3A_165 = arith.constant 0 : i32
      %dma_start3A_166 = tpu.memref_slice %arg2[%dma_start3A_164, %dma_start3A_165] : memref<100000x32xf32, #tpu.memory_space<hbm>> -> memref<100000x32xf32, #tpu.memory_space<hbm>>
      tpu.enqueue_indirect_dma source(%dma_start3A_166 : memref<100000x32xf32, #tpu.memory_space<hbm>>) target(%dma_start3A_161 : memref<128x32xf32, #tpu.memory_space<vmem>>) offsets(%dma_start3A_163 : memref<128xi32, #tpu.memory_space<vmem>>) semaphore(%arg12 : memref<!tpu.dma_semaphore, #tpu.memory_space<semaphore_mem>>)
      %dma_start3A_167 = arith.constant 640 : i32
      %dma_start3A_168 = arith.constant 0 : i32
      %dma_start3A_169 = tpu.memref_slice %arg8[%dma_start3A_167, %dma_start3A_168] : memref<1280x32xf32, #tpu.memory_space<vmem>> -> memref<128x32xf32, #tpu.memory_space<vmem>>
      %dma_start3A_170 = arith.constant 640 : i32
      %dma_start3A_171 = tpu.memref_slice %arg6[%dma_start3A_170] : memref<1280xi32, #tpu.memory_space<vmem>> -> memref<128xi32, #tpu.memory_space<vmem>>
      %dma_start3A_172 = arith.constant 0 : i32
      %dma_start3A_173 = arith.constant 0 : i32
      %dma_start3A_174 = tpu.memref_slice %arg2[%dma_start3A_172, %dma_start3A_173] : memref<100000x32xf32, #tpu.memory_space<hbm>> -> memref<100000x32xf32, #tpu.memory_space<hbm>>
      tpu.enqueue_indirect_dma source(%dma_start3A_174 : memref<100000x32xf32, #tpu.memory_space<hbm>>) target(%dma_start3A_169 : memref<128x32xf32, #tpu.memory_space<vmem>>) offsets(%dma_start3A_171 : memref<128xi32, #tpu.memory_space<vmem>>) semaphore(%arg12 : memref<!tpu.dma_semaphore, #tpu.memory_space<semaphore_mem>>)
      %dma_start3A_175 = arith.constant 768 : i32
      %dma_start3A_176 = arith.constant 0 : i32
      %dma_start3A_177 = tpu.memref_slice %arg8[%dma_start3A_175, %dma_start3A_176] : memref<1280x32xf32, #tpu.memory_space<vmem>> -> memref<128x32xf32, #tpu.memory_space<vmem>>
      %dma_start3A_178 = arith.constant 768 : i32
      %dma_start3A_179 = tpu.memref_slice %arg6[%dma_start3A_178] : memref<1280xi32, #tpu.memory_space<vmem>> -> memref<128xi32, #tpu.memory_space<vmem>>
      %dma_start3A_180 = arith.constant 0 : i32
      %dma_start3A_181 = arith.constant 0 : i32
      %dma_start3A_182 = tpu.memref_slice %arg2[%dma_start3A_180, %dma_start3A_181] : memref<100000x32xf32, #tpu.memory_space<hbm>> -> memref<100000x32xf32, #tpu.memory_space<hbm>>
      tpu.enqueue_indirect_dma source(%dma_start3A_182 : memref<100000x32xf32, #tpu.memory_space<hbm>>) target(%dma_start3A_177 : memref<128x32xf32, #tpu.memory_space<vmem>>) offsets(%dma_start3A_179 : memref<128xi32, #tpu.memory_space<vmem>>) semaphore(%arg12 : memref<!tpu.dma_semaphore, #tpu.memory_space<semaphore_mem>>)
      %dma_start3A_183 = arith.constant 896 : i32
      %dma_start3A_184 = arith.constant 0 : i32
      %dma_start3A_185 = tpu.memref_slice %arg8[%dma_start3A_183, %dma_start3A_184] : memref<1280x32xf32, #tpu.memory_space<vmem>> -> memref<128x32xf32, #tpu.memory_space<vmem>>
      %dma_start3A_186 = arith.constant 896 : i32
      %dma_start3A_187 = tpu.memref_slice %arg6[%dma_start3A_186] : memref<1280xi32, #tpu.memory_space<vmem>> -> memref<128xi32, #tpu.memory_space<vmem>>
      %dma_start3A_188 = arith.constant 0 : i32
      %dma_start3A_189 = arith.constant 0 : i32
      %dma_start3A_190 = tpu.memref_slice %arg2[%dma_start3A_188, %dma_start3A_189] : memref<100000x32xf32, #tpu.memory_space<hbm>> -> memref<100000x32xf32, #tpu.memory_space<hbm>>
      tpu.enqueue_indirect_dma source(%dma_start3A_190 : memref<100000x32xf32, #tpu.memory_space<hbm>>) target(%dma_start3A_185 : memref<128x32xf32, #tpu.memory_space<vmem>>) offsets(%dma_start3A_187 : memref<128xi32, #tpu.memory_space<vmem>>) semaphore(%arg12 : memref<!tpu.dma_semaphore, #tpu.memory_space<semaphore_mem>>)
      %dma_start3A_191 = arith.constant 1024 : i32
      %dma_start3A_192 = arith.constant 0 : i32
      %dma_start3A_193 = tpu.memref_slice %arg8[%dma_start3A_191, %dma_start3A_192] : memref<1280x32xf32, #tpu.memory_space<vmem>> -> memref<128x32xf32, #tpu.memory_space<vmem>>
      %dma_start3A_194 = arith.constant 1024 : i32
      %dma_start3A_195 = tpu.memref_slice %arg6[%dma_start3A_194] : memref<1280xi32, #tpu.memory_space<vmem>> -> memref<128xi32, #tpu.memory_space<vmem>>
      %dma_start3A_196 = arith.constant 0 : i32
      %dma_start3A_197 = arith.constant 0 : i32
      %dma_start3A_198 = tpu.memref_slice %arg2[%dma_start3A_196, %dma_start3A_197] : memref<100000x32xf32, #tpu.memory_space<hbm>> -> memref<100000x32xf32, #tpu.memory_space<hbm>>
      tpu.enqueue_indirect_dma source(%dma_start3A_198 : memref<100000x32xf32, #tpu.memory_space<hbm>>) target(%dma_start3A_193 : memref<128x32xf32, #tpu.memory_space<vmem>>) offsets(%dma_start3A_195 : memref<128xi32, #tpu.memory_space<vmem>>) semaphore(%arg12 : memref<!tpu.dma_semaphore, #tpu.memory_space<semaphore_mem>>)
      %dma_start3A_199 = arith.constant 1152 : i32
      %dma_start3A_200 = arith.constant 0 : i32
      %dma_start3A_201 = tpu.memref_slice %arg8[%dma_start3A_199, %dma_start3A_200] : memref<1280x32xf32, #tpu.memory_space<vmem>> -> memref<128x32xf32, #tpu.memory_space<vmem>>
      %dma_start3A_202 = arith.constant 1152 : i32
      %dma_start3A_203 = tpu.memref_slice %arg6[%dma_start3A_202] : memref<1280xi32, #tpu.memory_space<vmem>> -> memref<128xi32, #tpu.memory_space<vmem>>
      %dma_start3A_204 = arith.constant 0 : i32
      %dma_start3A_205 = arith.constant 0 : i32
      %dma_start3A_206 = tpu.memref_slice %arg2[%dma_start3A_204, %dma_start3A_205] : memref<100000x32xf32, #tpu.memory_space<hbm>> -> memref<100000x32xf32, #tpu.memory_space<hbm>>
      tpu.enqueue_indirect_dma source(%dma_start3A_206 : memref<100000x32xf32, #tpu.memory_space<hbm>>) target(%dma_start3A_201 : memref<128x32xf32, #tpu.memory_space<vmem>>) offsets(%dma_start3A_203 : memref<128xi32, #tpu.memory_space<vmem>>) semaphore(%arg12 : memref<!tpu.dma_semaphore, #tpu.memory_space<semaphore_mem>>)
      %dma_wait3A_207 = arith.constant 0 : i32
      %dma_wait3A_208 = arith.constant 0 : i32
      %dma_wait3A_209 = tpu.memref_slice %arg7[%dma_wait3A_207, %dma_wait3A_208] : memref<1280x32xf32, #tpu.memory_space<vmem>> -> memref<128x32xf32, #tpu.memory_space<vmem>>
      %dma_wait3A_210 = arith.constant 0 : i32
      %dma_wait3A_211 = tpu.memref_slice %arg5[%dma_wait3A_210] : memref<1280xi32, #tpu.memory_space<vmem>> -> memref<128xi32, #tpu.memory_space<vmem>>
      %dma_wait3A_212 = arith.constant 0 : i32
      %dma_wait3A_213 = arith.constant 0 : i32
      %dma_wait3A_214 = tpu.memref_slice %arg2[%dma_wait3A_212, %dma_wait3A_213] : memref<100000x32xf32, #tpu.memory_space<hbm>> -> memref<100000x32xf32, #tpu.memory_space<hbm>>
      tpu.wait_indirect_dma semaphore(%arg11 : memref<!tpu.dma_semaphore, #tpu.memory_space<semaphore_mem>>) src(%dma_wait3A_214 : memref<100000x32xf32, #tpu.memory_space<hbm>>) dst(%dma_wait3A_209 : memref<128x32xf32, #tpu.memory_space<vmem>>)
      %dma_wait3A_215 = arith.constant 128 : i32
      %dma_wait3A_216 = arith.constant 0 : i32
      %dma_wait3A_217 = tpu.memref_slice %arg7[%dma_wait3A_215, %dma_wait3A_216] : memref<1280x32xf32, #tpu.memory_space<vmem>> -> memref<128x32xf32, #tpu.memory_space<vmem>>
      %dma_wait3A_218 = arith.constant 128 : i32
      %dma_wait3A_219 = tpu.memref_slice %arg5[%dma_wait3A_218] : memref<1280xi32, #tpu.memory_space<vmem>> -> memref<128xi32, #tpu.memory_space<vmem>>
      %dma_wait3A_220 = arith.constant 0 : i32
      %dma_wait3A_221 = arith.constant 0 : i32
      %dma_wait3A_222 = tpu.memref_slice %arg2[%dma_wait3A_220, %dma_wait3A_221] : memref<100000x32xf32, #tpu.memory_space<hbm>> -> memref<100000x32xf32, #tpu.memory_space<hbm>>
      tpu.wait_indirect_dma semaphore(%arg11 : memref<!tpu.dma_semaphore, #tpu.memory_space<semaphore_mem>>) src(%dma_wait3A_222 : memref<100000x32xf32, #tpu.memory_space<hbm>>) dst(%dma_wait3A_217 : memref<128x32xf32, #tpu.memory_space<vmem>>)
      %dma_wait3A_223 = arith.constant 256 : i32
      %dma_wait3A_224 = arith.constant 0 : i32
      %dma_wait3A_225 = tpu.memref_slice %arg7[%dma_wait3A_223, %dma_wait3A_224] : memref<1280x32xf32, #tpu.memory_space<vmem>> -> memref<128x32xf32, #tpu.memory_space<vmem>>
      %dma_wait3A_226 = arith.constant 256 : i32
      %dma_wait3A_227 = tpu.memref_slice %arg5[%dma_wait3A_226] : memref<1280xi32, #tpu.memory_space<vmem>> -> memref<128xi32, #tpu.memory_space<vmem>>
      %dma_wait3A_228 = arith.constant 0 : i32
      %dma_wait3A_229 = arith.constant 0 : i32
      %dma_wait3A_230 = tpu.memref_slice %arg2[%dma_wait3A_228, %dma_wait3A_229] : memref<100000x32xf32, #tpu.memory_space<hbm>> -> memref<100000x32xf32, #tpu.memory_space<hbm>>
      tpu.wait_indirect_dma semaphore(%arg11 : memref<!tpu.dma_semaphore, #tpu.memory_space<semaphore_mem>>) src(%dma_wait3A_230 : memref<100000x32xf32, #tpu.memory_space<hbm>>) dst(%dma_wait3A_225 : memref<128x32xf32, #tpu.memory_space<vmem>>)
      %dma_wait3A_231 = arith.constant 384 : i32
      %dma_wait3A_232 = arith.constant 0 : i32
      %dma_wait3A_233 = tpu.memref_slice %arg7[%dma_wait3A_231, %dma_wait3A_232] : memref<1280x32xf32, #tpu.memory_space<vmem>> -> memref<128x32xf32, #tpu.memory_space<vmem>>
      %dma_wait3A_234 = arith.constant 384 : i32
      %dma_wait3A_235 = tpu.memref_slice %arg5[%dma_wait3A_234] : memref<1280xi32, #tpu.memory_space<vmem>> -> memref<128xi32, #tpu.memory_space<vmem>>
      %dma_wait3A_236 = arith.constant 0 : i32
      %dma_wait3A_237 = arith.constant 0 : i32
      %dma_wait3A_238 = tpu.memref_slice %arg2[%dma_wait3A_236, %dma_wait3A_237] : memref<100000x32xf32, #tpu.memory_space<hbm>> -> memref<100000x32xf32, #tpu.memory_space<hbm>>
      tpu.wait_indirect_dma semaphore(%arg11 : memref<!tpu.dma_semaphore, #tpu.memory_space<semaphore_mem>>) src(%dma_wait3A_238 : memref<100000x32xf32, #tpu.memory_space<hbm>>) dst(%dma_wait3A_233 : memref<128x32xf32, #tpu.memory_space<vmem>>)
      %dma_wait3A_239 = arith.constant 512 : i32
      %dma_wait3A_240 = arith.constant 0 : i32
      %dma_wait3A_241 = tpu.memref_slice %arg7[%dma_wait3A_239, %dma_wait3A_240] : memref<1280x32xf32, #tpu.memory_space<vmem>> -> memref<128x32xf32, #tpu.memory_space<vmem>>
      %dma_wait3A_242 = arith.constant 512 : i32
      %dma_wait3A_243 = tpu.memref_slice %arg5[%dma_wait3A_242] : memref<1280xi32, #tpu.memory_space<vmem>> -> memref<128xi32, #tpu.memory_space<vmem>>
      %dma_wait3A_244 = arith.constant 0 : i32
      %dma_wait3A_245 = arith.constant 0 : i32
      %dma_wait3A_246 = tpu.memref_slice %arg2[%dma_wait3A_244, %dma_wait3A_245] : memref<100000x32xf32, #tpu.memory_space<hbm>> -> memref<100000x32xf32, #tpu.memory_space<hbm>>
      tpu.wait_indirect_dma semaphore(%arg11 : memref<!tpu.dma_semaphore, #tpu.memory_space<semaphore_mem>>) src(%dma_wait3A_246 : memref<100000x32xf32, #tpu.memory_space<hbm>>) dst(%dma_wait3A_241 : memref<128x32xf32, #tpu.memory_space<vmem>>)
      %dma_wait3A_247 = arith.constant 640 : i32
      %dma_wait3A_248 = arith.constant 0 : i32
      %dma_wait3A_249 = tpu.memref_slice %arg7[%dma_wait3A_247, %dma_wait3A_248] : memref<1280x32xf32, #tpu.memory_space<vmem>> -> memref<128x32xf32, #tpu.memory_space<vmem>>
      %dma_wait3A_250 = arith.constant 640 : i32
      %dma_wait3A_251 = tpu.memref_slice %arg5[%dma_wait3A_250] : memref<1280xi32, #tpu.memory_space<vmem>> -> memref<128xi32, #tpu.memory_space<vmem>>
      %dma_wait3A_252 = arith.constant 0 : i32
      %dma_wait3A_253 = arith.constant 0 : i32
      %dma_wait3A_254 = tpu.memref_slice %arg2[%dma_wait3A_252, %dma_wait3A_253] : memref<100000x32xf32, #tpu.memory_space<hbm>> -> memref<100000x32xf32, #tpu.memory_space<hbm>>
      tpu.wait_indirect_dma semaphore(%arg11 : memref<!tpu.dma_semaphore, #tpu.memory_space<semaphore_mem>>) src(%dma_wait3A_254 : memref<100000x32xf32, #tpu.memory_space<hbm>>) dst(%dma_wait3A_249 : memref<128x32xf32, #tpu.memory_space<vmem>>)
      %dma_wait3A_255 = arith.constant 768 : i32
      %dma_wait3A_256 = arith.constant 0 : i32
      %dma_wait3A_257 = tpu.memref_slice %arg7[%dma_wait3A_255, %dma_wait3A_256] : memref<1280x32xf32, #tpu.memory_space<vmem>> -> memref<128x32xf32, #tpu.memory_space<vmem>>
      %dma_wait3A_258 = arith.constant 768 : i32
      %dma_wait3A_259 = tpu.memref_slice %arg5[%dma_wait3A_258] : memref<1280xi32, #tpu.memory_space<vmem>> -> memref<128xi32, #tpu.memory_space<vmem>>
      %dma_wait3A_260 = arith.constant 0 : i32
      %dma_wait3A_261 = arith.constant 0 : i32
      %dma_wait3A_262 = tpu.memref_slice %arg2[%dma_wait3A_260, %dma_wait3A_261] : memref<100000x32xf32, #tpu.memory_space<hbm>> -> memref<100000x32xf32, #tpu.memory_space<hbm>>
      tpu.wait_indirect_dma semaphore(%arg11 : memref<!tpu.dma_semaphore, #tpu.memory_space<semaphore_mem>>) src(%dma_wait3A_262 : memref<100000x32xf32, #tpu.memory_space<hbm>>) dst(%dma_wait3A_257 : memref<128x32xf32, #tpu.memory_space<vmem>>)
      %dma_wait3A_263 = arith.constant 896 : i32
      %dma_wait3A_264 = arith.constant 0 : i32
      %dma_wait3A_265 = tpu.memref_slice %arg7[%dma_wait3A_263, %dma_wait3A_264] : memref<1280x32xf32, #tpu.memory_space<vmem>> -> memref<128x32xf32, #tpu.memory_space<vmem>>
      %dma_wait3A_266 = arith.constant 896 : i32
      %dma_wait3A_267 = tpu.memref_slice %arg5[%dma_wait3A_266] : memref<1280xi32, #tpu.memory_space<vmem>> -> memref<128xi32, #tpu.memory_space<vmem>>
      %dma_wait3A_268 = arith.constant 0 : i32
      %dma_wait3A_269 = arith.constant 0 : i32
      %dma_wait3A_270 = tpu.memref_slice %arg2[%dma_wait3A_268, %dma_wait3A_269] : memref<100000x32xf32, #tpu.memory_space<hbm>> -> memref<100000x32xf32, #tpu.memory_space<hbm>>
      tpu.wait_indirect_dma semaphore(%arg11 : memref<!tpu.dma_semaphore, #tpu.memory_space<semaphore_mem>>) src(%dma_wait3A_270 : memref<100000x32xf32, #tpu.memory_space<hbm>>) dst(%dma_wait3A_265 : memref<128x32xf32, #tpu.memory_space<vmem>>)
      %dma_wait3A_271 = arith.constant 1024 : i32
      %dma_wait3A_272 = arith.constant 0 : i32
      %dma_wait3A_273 = tpu.memref_slice %arg7[%dma_wait3A_271, %dma_wait3A_272] : memref<1280x32xf32, #tpu.memory_space<vmem>> -> memref<128x32xf32, #tpu.memory_space<vmem>>
      %dma_wait3A_274 = arith.constant 1024 : i32
      %dma_wait3A_275 = tpu.memref_slice %arg5[%dma_wait3A_274] : memref<1280xi32, #tpu.memory_space<vmem>> -> memref<128xi32, #tpu.memory_space<vmem>>
      %dma_wait3A_276 = arith.constant 0 : i32
      %dma_wait3A_277 = arith.constant 0 : i32
      %dma_wait3A_278 = tpu.memref_slice %arg2[%dma_wait3A_276, %dma_wait3A_277] : memref<100000x32xf32, #tpu.memory_space<hbm>> -> memref<100000x32xf32, #tpu.memory_space<hbm>>
      tpu.wait_indirect_dma semaphore(%arg11 : memref<!tpu.dma_semaphore, #tpu.memory_space<semaphore_mem>>) src(%dma_wait3A_278 : memref<100000x32xf32, #tpu.memory_space<hbm>>) dst(%dma_wait3A_273 : memref<128x32xf32, #tpu.memory_space<vmem>>)
      %dma_wait3A_279 = arith.constant 1152 : i32
      %dma_wait3A_280 = arith.constant 0 : i32
      %dma_wait3A_281 = tpu.memref_slice %arg7[%dma_wait3A_279, %dma_wait3A_280] : memref<1280x32xf32, #tpu.memory_space<vmem>> -> memref<128x32xf32, #tpu.memory_space<vmem>>
      %dma_wait3A_282 = arith.constant 1152 : i32
      %dma_wait3A_283 = tpu.memref_slice %arg5[%dma_wait3A_282] : memref<1280xi32, #tpu.memory_space<vmem>> -> memref<128xi32, #tpu.memory_space<vmem>>
      %dma_wait3A_284 = arith.constant 0 : i32
      %dma_wait3A_285 = arith.constant 0 : i32
      %dma_wait3A_286 = tpu.memref_slice %arg2[%dma_wait3A_284, %dma_wait3A_285] : memref<100000x32xf32, #tpu.memory_space<hbm>> -> memref<100000x32xf32, #tpu.memory_space<hbm>>
      tpu.wait_indirect_dma semaphore(%arg11 : memref<!tpu.dma_semaphore, #tpu.memory_space<semaphore_mem>>) src(%dma_wait3A_286 : memref<100000x32xf32, #tpu.memory_space<hbm>>) dst(%dma_wait3A_281 : memref<128x32xf32, #tpu.memory_space<vmem>>)
      %mul3A_287 = arith.constant 1280 : i32
      %mul3A_288 = arith.muli %mul3A_29, %mul3A_287 : i32
      %add3A_289 = arith.addi %mul3A_4, %mul3A_288 : i32
      %dma_start3A_290 = arith.constant 0 : i32
      %dma_start3A_291 = tpu.memref_slice %arg4[%add3A_289, %dma_start3A_290] : memref<819200x128xf32, #tpu.memory_space<hbm>> -> memref<1280x32xf32, #tpu.memory_space<hbm>>
      %dma_start3A_292 = arith.constant 0 : i32
      %dma_start3A_293 = tpu.memref_slice %arg4[%add3A_289, %dma_start3A_292] : memref<819200x128xf32, #tpu.memory_space<hbm>> -> memref<1280x32xf32, #tpu.memory_space<hbm>>
      tpu.enqueue_dma source(%arg7 : memref<1280x32xf32, #tpu.memory_space<vmem>>) target(%dma_start3A_293 : memref<1280x32xf32, #tpu.memory_space<hbm>>) target_semaphore(%arg13 : memref<!tpu.dma_semaphore, #tpu.memory_space<semaphore_mem>>)
      %lt3A = arith.constant 9 : i32
      %lt3A_294 = arith.cmpi slt, %scan3A_27, %lt3A : i32
      %convert_element_type3A_295 = arith.extui %lt3A_294 : i1 to i32
      %cond3A_296 = arith.constant 0 : i32
      %cond3A_297 = arith.cmpi ne, %convert_element_type3A_295, %cond3A_296 : i32
      scf.if %cond3A_297 {
        %add3A_390 = arith.constant 2 : i32
        %add3A_391 = arith.addi %mul3A_29, %add3A_390 : i32
        %mul3A_392 = arith.constant 1280 : i32
        %mul3A_393 = arith.muli %add3A_391, %mul3A_392 : i32
        %add3A_394 = arith.addi %mul3A_4, %mul3A_393 : i32
        %dma_start3A_395 = tpu.memref_slice %arg3[%add3A_394] : memref<819200xi32, #tpu.memory_space<hbm>> -> memref<1280xi32, #tpu.memory_space<hbm>>
        %dma_start3A_396 = tpu.memref_slice %arg3[%add3A_394] : memref<819200xi32, #tpu.memory_space<hbm>> -> memref<1280xi32, #tpu.memory_space<hbm>>
        tpu.enqueue_dma source(%dma_start3A_396 : memref<1280xi32, #tpu.memory_space<hbm>>) target(%arg5 : memref<1280xi32, #tpu.memory_space<vmem>>) target_semaphore(%arg9 : memref<!tpu.dma_semaphore, #tpu.memory_space<semaphore_mem>>)
      } else {
      }
      %dma_wait3A_298 = arith.constant 0 : i32
      %dma_wait3A_299 = arith.constant 0 : i32
      %dma_wait3A_300 = tpu.memref_slice %arg8[%dma_wait3A_298, %dma_wait3A_299] : memref<1280x32xf32, #tpu.memory_space<vmem>> -> memref<128x32xf32, #tpu.memory_space<vmem>>
      %dma_wait3A_301 = arith.constant 0 : i32
      %dma_wait3A_302 = tpu.memref_slice %arg6[%dma_wait3A_301] : memref<1280xi32, #tpu.memory_space<vmem>> -> memref<128xi32, #tpu.memory_space<vmem>>
      %dma_wait3A_303 = arith.constant 0 : i32
      %dma_wait3A_304 = arith.constant 0 : i32
      %dma_wait3A_305 = tpu.memref_slice %arg2[%dma_wait3A_303, %dma_wait3A_304] : memref<100000x32xf32, #tpu.memory_space<hbm>> -> memref<100000x32xf32, #tpu.memory_space<hbm>>
      tpu.wait_indirect_dma semaphore(%arg12 : memref<!tpu.dma_semaphore, #tpu.memory_space<semaphore_mem>>) src(%dma_wait3A_305 : memref<100000x32xf32, #tpu.memory_space<hbm>>) dst(%dma_wait3A_300 : memref<128x32xf32, #tpu.memory_space<vmem>>)
      %dma_wait3A_306 = arith.constant 128 : i32
      %dma_wait3A_307 = arith.constant 0 : i32
      %dma_wait3A_308 = tpu.memref_slice %arg8[%dma_wait3A_306, %dma_wait3A_307] : memref<1280x32xf32, #tpu.memory_space<vmem>> -> memref<128x32xf32, #tpu.memory_space<vmem>>
      %dma_wait3A_309 = arith.constant 128 : i32
      %dma_wait3A_310 = tpu.memref_slice %arg6[%dma_wait3A_309] : memref<1280xi32, #tpu.memory_space<vmem>> -> memref<128xi32, #tpu.memory_space<vmem>>
      %dma_wait3A_311 = arith.constant 0 : i32
      %dma_wait3A_312 = arith.constant 0 : i32
      %dma_wait3A_313 = tpu.memref_slice %arg2[%dma_wait3A_311, %dma_wait3A_312] : memref<100000x32xf32, #tpu.memory_space<hbm>> -> memref<100000x32xf32, #tpu.memory_space<hbm>>
      tpu.wait_indirect_dma semaphore(%arg12 : memref<!tpu.dma_semaphore, #tpu.memory_space<semaphore_mem>>) src(%dma_wait3A_313 : memref<100000x32xf32, #tpu.memory_space<hbm>>) dst(%dma_wait3A_308 : memref<128x32xf32, #tpu.memory_space<vmem>>)
      %dma_wait3A_314 = arith.constant 256 : i32
      %dma_wait3A_315 = arith.constant 0 : i32
      %dma_wait3A_316 = tpu.memref_slice %arg8[%dma_wait3A_314, %dma_wait3A_315] : memref<1280x32xf32, #tpu.memory_space<vmem>> -> memref<128x32xf32, #tpu.memory_space<vmem>>
      %dma_wait3A_317 = arith.constant 256 : i32
      %dma_wait3A_318 = tpu.memref_slice %arg6[%dma_wait3A_317] : memref<1280xi32, #tpu.memory_space<vmem>> -> memref<128xi32, #tpu.memory_space<vmem>>
      %dma_wait3A_319 = arith.constant 0 : i32
      %dma_wait3A_320 = arith.constant 0 : i32
      %dma_wait3A_321 = tpu.memref_slice %arg2[%dma_wait3A_319, %dma_wait3A_320] : memref<100000x32xf32, #tpu.memory_space<hbm>> -> memref<100000x32xf32, #tpu.memory_space<hbm>>
      tpu.wait_indirect_dma semaphore(%arg12 : memref<!tpu.dma_semaphore, #tpu.memory_space<semaphore_mem>>) src(%dma_wait3A_321 : memref<100000x32xf32, #tpu.memory_space<hbm>>) dst(%dma_wait3A_316 : memref<128x32xf32, #tpu.memory_space<vmem>>)
      %dma_wait3A_322 = arith.constant 384 : i32
      %dma_wait3A_323 = arith.constant 0 : i32
      %dma_wait3A_324 = tpu.memref_slice %arg8[%dma_wait3A_322, %dma_wait3A_323] : memref<1280x32xf32, #tpu.memory_space<vmem>> -> memref<128x32xf32, #tpu.memory_space<vmem>>
      %dma_wait3A_325 = arith.constant 384 : i32
      %dma_wait3A_326 = tpu.memref_slice %arg6[%dma_wait3A_325] : memref<1280xi32, #tpu.memory_space<vmem>> -> memref<128xi32, #tpu.memory_space<vmem>>
      %dma_wait3A_327 = arith.constant 0 : i32
      %dma_wait3A_328 = arith.constant 0 : i32
      %dma_wait3A_329 = tpu.memref_slice %arg2[%dma_wait3A_327, %dma_wait3A_328] : memref<100000x32xf32, #tpu.memory_space<hbm>> -> memref<100000x32xf32, #tpu.memory_space<hbm>>
      tpu.wait_indirect_dma semaphore(%arg12 : memref<!tpu.dma_semaphore, #tpu.memory_space<semaphore_mem>>) src(%dma_wait3A_329 : memref<100000x32xf32, #tpu.memory_space<hbm>>) dst(%dma_wait3A_324 : memref<128x32xf32, #tpu.memory_space<vmem>>)
      %dma_wait3A_330 = arith.constant 512 : i32
      %dma_wait3A_331 = arith.constant 0 : i32
      %dma_wait3A_332 = tpu.memref_slice %arg8[%dma_wait3A_330, %dma_wait3A_331] : memref<1280x32xf32, #tpu.memory_space<vmem>> -> memref<128x32xf32, #tpu.memory_space<vmem>>
      %dma_wait3A_333 = arith.constant 512 : i32
      %dma_wait3A_334 = tpu.memref_slice %arg6[%dma_wait3A_333] : memref<1280xi32, #tpu.memory_space<vmem>> -> memref<128xi32, #tpu.memory_space<vmem>>
      %dma_wait3A_335 = arith.constant 0 : i32
      %dma_wait3A_336 = arith.constant 0 : i32
      %dma_wait3A_337 = tpu.memref_slice %arg2[%dma_wait3A_335, %dma_wait3A_336] : memref<100000x32xf32, #tpu.memory_space<hbm>> -> memref<100000x32xf32, #tpu.memory_space<hbm>>
      tpu.wait_indirect_dma semaphore(%arg12 : memref<!tpu.dma_semaphore, #tpu.memory_space<semaphore_mem>>) src(%dma_wait3A_337 : memref<100000x32xf32, #tpu.memory_space<hbm>>) dst(%dma_wait3A_332 : memref<128x32xf32, #tpu.memory_space<vmem>>)
      %dma_wait3A_338 = arith.constant 640 : i32
      %dma_wait3A_339 = arith.constant 0 : i32
      %dma_wait3A_340 = tpu.memref_slice %arg8[%dma_wait3A_338, %dma_wait3A_339] : memref<1280x32xf32, #tpu.memory_space<vmem>> -> memref<128x32xf32, #tpu.memory_space<vmem>>
      %dma_wait3A_341 = arith.constant 640 : i32
      %dma_wait3A_342 = tpu.memref_slice %arg6[%dma_wait3A_341] : memref<1280xi32, #tpu.memory_space<vmem>> -> memref<128xi32, #tpu.memory_space<vmem>>
      %dma_wait3A_343 = arith.constant 0 : i32
      %dma_wait3A_344 = arith.constant 0 : i32
      %dma_wait3A_345 = tpu.memref_slice %arg2[%dma_wait3A_343, %dma_wait3A_344] : memref<100000x32xf32, #tpu.memory_space<hbm>> -> memref<100000x32xf32, #tpu.memory_space<hbm>>
      tpu.wait_indirect_dma semaphore(%arg12 : memref<!tpu.dma_semaphore, #tpu.memory_space<semaphore_mem>>) src(%dma_wait3A_345 : memref<100000x32xf32, #tpu.memory_space<hbm>>) dst(%dma_wait3A_340 : memref<128x32xf32, #tpu.memory_space<vmem>>)
      %dma_wait3A_346 = arith.constant 768 : i32
      %dma_wait3A_347 = arith.constant 0 : i32
      %dma_wait3A_348 = tpu.memref_slice %arg8[%dma_wait3A_346, %dma_wait3A_347] : memref<1280x32xf32, #tpu.memory_space<vmem>> -> memref<128x32xf32, #tpu.memory_space<vmem>>
      %dma_wait3A_349 = arith.constant 768 : i32
      %dma_wait3A_350 = tpu.memref_slice %arg6[%dma_wait3A_349] : memref<1280xi32, #tpu.memory_space<vmem>> -> memref<128xi32, #tpu.memory_space<vmem>>
      %dma_wait3A_351 = arith.constant 0 : i32
      %dma_wait3A_352 = arith.constant 0 : i32
      %dma_wait3A_353 = tpu.memref_slice %arg2[%dma_wait3A_351, %dma_wait3A_352] : memref<100000x32xf32, #tpu.memory_space<hbm>> -> memref<100000x32xf32, #tpu.memory_space<hbm>>
      tpu.wait_indirect_dma semaphore(%arg12 : memref<!tpu.dma_semaphore, #tpu.memory_space<semaphore_mem>>) src(%dma_wait3A_353 : memref<100000x32xf32, #tpu.memory_space<hbm>>) dst(%dma_wait3A_348 : memref<128x32xf32, #tpu.memory_space<vmem>>)
      %dma_wait3A_354 = arith.constant 896 : i32
      %dma_wait3A_355 = arith.constant 0 : i32
      %dma_wait3A_356 = tpu.memref_slice %arg8[%dma_wait3A_354, %dma_wait3A_355] : memref<1280x32xf32, #tpu.memory_space<vmem>> -> memref<128x32xf32, #tpu.memory_space<vmem>>
      %dma_wait3A_357 = arith.constant 896 : i32
      %dma_wait3A_358 = tpu.memref_slice %arg6[%dma_wait3A_357] : memref<1280xi32, #tpu.memory_space<vmem>> -> memref<128xi32, #tpu.memory_space<vmem>>
      %dma_wait3A_359 = arith.constant 0 : i32
      %dma_wait3A_360 = arith.constant 0 : i32
      %dma_wait3A_361 = tpu.memref_slice %arg2[%dma_wait3A_359, %dma_wait3A_360] : memref<100000x32xf32, #tpu.memory_space<hbm>> -> memref<100000x32xf32, #tpu.memory_space<hbm>>
      tpu.wait_indirect_dma semaphore(%arg12 : memref<!tpu.dma_semaphore, #tpu.memory_space<semaphore_mem>>) src(%dma_wait3A_361 : memref<100000x32xf32, #tpu.memory_space<hbm>>) dst(%dma_wait3A_356 : memref<128x32xf32, #tpu.memory_space<vmem>>)
      %dma_wait3A_362 = arith.constant 1024 : i32
      %dma_wait3A_363 = arith.constant 0 : i32
      %dma_wait3A_364 = tpu.memref_slice %arg8[%dma_wait3A_362, %dma_wait3A_363] : memref<1280x32xf32, #tpu.memory_space<vmem>> -> memref<128x32xf32, #tpu.memory_space<vmem>>
      %dma_wait3A_365 = arith.constant 1024 : i32
      %dma_wait3A_366 = tpu.memref_slice %arg6[%dma_wait3A_365] : memref<1280xi32, #tpu.memory_space<vmem>> -> memref<128xi32, #tpu.memory_space<vmem>>
      %dma_wait3A_367 = arith.constant 0 : i32
      %dma_wait3A_368 = arith.constant 0 : i32
      %dma_wait3A_369 = tpu.memref_slice %arg2[%dma_wait3A_367, %dma_wait3A_368] : memref<100000x32xf32, #tpu.memory_space<hbm>> -> memref<100000x32xf32, #tpu.memory_space<hbm>>
      tpu.wait_indirect_dma semaphore(%arg12 : memref<!tpu.dma_semaphore, #tpu.memory_space<semaphore_mem>>) src(%dma_wait3A_369 : memref<100000x32xf32, #tpu.memory_space<hbm>>) dst(%dma_wait3A_364 : memref<128x32xf32, #tpu.memory_space<vmem>>)
      %dma_wait3A_370 = arith.constant 1152 : i32
      %dma_wait3A_371 = arith.constant 0 : i32
      %dma_wait3A_372 = tpu.memref_slice %arg8[%dma_wait3A_370, %dma_wait3A_371] : memref<1280x32xf32, #tpu.memory_space<vmem>> -> memref<128x32xf32, #tpu.memory_space<vmem>>
      %dma_wait3A_373 = arith.constant 1152 : i32
      %dma_wait3A_374 = tpu.memref_slice %arg6[%dma_wait3A_373] : memref<1280xi32, #tpu.memory_space<vmem>> -> memref<128xi32, #tpu.memory_space<vmem>>
      %dma_wait3A_375 = arith.constant 0 : i32
      %dma_wait3A_376 = arith.constant 0 : i32
      %dma_wait3A_377 = tpu.memref_slice %arg2[%dma_wait3A_375, %dma_wait3A_376] : memref<100000x32xf32, #tpu.memory_space<hbm>> -> memref<100000x32xf32, #tpu.memory_space<hbm>>
      tpu.wait_indirect_dma semaphore(%arg12 : memref<!tpu.dma_semaphore, #tpu.memory_space<semaphore_mem>>) src(%dma_wait3A_377 : memref<100000x32xf32, #tpu.memory_space<hbm>>) dst(%dma_wait3A_372 : memref<128x32xf32, #tpu.memory_space<vmem>>)
      %mul3A_378 = arith.constant 1280 : i32
      %mul3A_379 = arith.muli %add3A_31, %mul3A_378 : i32
      %add3A_380 = arith.addi %mul3A_4, %mul3A_379 : i32
      %dma_start3A_381 = arith.constant 0 : i32
      %dma_start3A_382 = tpu.memref_slice %arg4[%add3A_380, %dma_start3A_381] : memref<819200x128xf32, #tpu.memory_space<hbm>> -> memref<1280x32xf32, #tpu.memory_space<hbm>>
      %dma_start3A_383 = arith.constant 0 : i32
      %dma_start3A_384 = tpu.memref_slice %arg4[%add3A_380, %dma_start3A_383] : memref<819200x128xf32, #tpu.memory_space<hbm>> -> memref<1280x32xf32, #tpu.memory_space<hbm>>
      tpu.enqueue_dma source(%arg8 : memref<1280x32xf32, #tpu.memory_space<vmem>>) target(%dma_start3A_384 : memref<1280x32xf32, #tpu.memory_space<hbm>>) target_semaphore(%arg14 : memref<!tpu.dma_semaphore, #tpu.memory_space<semaphore_mem>>)
      %lt3A_385 = arith.constant 9 : i32
      %lt3A_386 = arith.cmpi slt, %scan3A_27, %lt3A_385 : i32
      %convert_element_type3A_387 = arith.extui %lt3A_386 : i1 to i32
      %cond3A_388 = arith.constant 0 : i32
      %cond3A_389 = arith.cmpi ne, %convert_element_type3A_387, %cond3A_388 : i32
      scf.if %cond3A_389 {
        %add3A_390 = arith.constant 2 : i32
        %add3A_391 = arith.addi %add3A_31, %add3A_390 : i32
        %mul3A_392 = arith.constant 1280 : i32
        %mul3A_393 = arith.muli %add3A_391, %mul3A_392 : i32
        %add3A_394 = arith.addi %mul3A_4, %mul3A_393 : i32
        %dma_start3A_395 = tpu.memref_slice %arg3[%add3A_394] : memref<819200xi32, #tpu.memory_space<hbm>> -> memref<1280xi32, #tpu.memory_space<hbm>>
        %dma_start3A_396 = tpu.memref_slice %arg3[%add3A_394] : memref<819200xi32, #tpu.memory_space<hbm>> -> memref<1280xi32, #tpu.memory_space<hbm>>
        tpu.enqueue_dma source(%dma_start3A_396 : memref<1280xi32, #tpu.memory_space<hbm>>) target(%arg6 : memref<1280xi32, #tpu.memory_space<vmem>>) target_semaphore(%arg10 : memref<!tpu.dma_semaphore, #tpu.memory_space<semaphore_mem>>)
      } else {
      }
    }
    %scan3A_15 = arith.constant 10 : i32
    %dma_wait3A = arith.constant 0 : i32
    %dma_wait3A_16 = arith.constant 0 : i32
    %dma_wait3A_17 = tpu.memref_slice %arg4[%dma_wait3A, %dma_wait3A_16] : memref<819200x128xf32, #tpu.memory_space<hbm>> -> memref<1280x32xf32, #tpu.memory_space<hbm>>
    %dma_wait3A_18 = arith.constant 0 : i32
    %dma_wait3A_19 = arith.constant 0 : i32
    %dma_wait3A_20 = tpu.memref_slice %arg4[%dma_wait3A_18, %dma_wait3A_19] : memref<819200x128xf32, #tpu.memory_space<hbm>> -> memref<1280x32xf32, #tpu.memory_space<hbm>>
    tpu.wait_dma2 semaphore(%arg13 : memref<!tpu.dma_semaphore, #tpu.memory_space<semaphore_mem>>) src(%arg7 : memref<1280x32xf32, #tpu.memory_space<vmem>>) dst(%dma_wait3A_20 : memref<1280x32xf32, #tpu.memory_space<hbm>>)
    %dma_wait3A_21 = arith.constant 0 : i32
    %dma_wait3A_22 = arith.constant 0 : i32
    %dma_wait3A_23 = tpu.memref_slice %arg4[%dma_wait3A_21, %dma_wait3A_22] : memref<819200x128xf32, #tpu.memory_space<hbm>> -> memref<1280x32xf32, #tpu.memory_space<hbm>>
    %dma_wait3A_24 = arith.constant 0 : i32
    %dma_wait3A_25 = arith.constant 0 : i32
    %dma_wait3A_26 = tpu.memref_slice %arg4[%dma_wait3A_24, %dma_wait3A_25] : memref<819200x128xf32, #tpu.memory_space<hbm>> -> memref<1280x32xf32, #tpu.memory_space<hbm>>
    tpu.wait_dma2 semaphore(%arg14 : memref<!tpu.dma_semaphore, #tpu.memory_space<semaphore_mem>>) src(%arg8 : memref<1280x32xf32, #tpu.memory_space<vmem>>) dst(%dma_wait3A_26 : memref<1280x32xf32, #tpu.memory_space<hbm>>)
    return
  }
}

</mosaic_0001>

<sc_bundles>
// kernel: kernel.3.cloned.1.call-start
scs
__scs_entry_jumppad:
0x0: {  	(pc) =	sbr.rel $0x88, $3  }
0x1: {  	(tag) =	ssettag $0x0;
	lr =	simm.s32 $0x1  }
0x2: {  	[smem:$0x3F9F] =	sst lr;
	_ =	strace $0xD0000000  }
0x3: {  	_ = 	snop  }
0x4: {  	_ = 	snop  }
0x5: {  	_ = 	snop  }
0x6: {  	_ = 	snop  }
0x7: {  	_ = 	snop  }
__scs_overlays_trampoline_lowered:
0x8: {  	[smem:$0x3FAE] =	sst s0  }
0x9: {  	[smem:$0x3FAF] =	sst s1  }
0xa: {  	[smem:$0x3FB0] =	sst s2  }
0xb: {  	[smem:$0x3FB1] =	sst s3  }
0xc: {  	[smem:$0x3FB2] =	sst s4  }
0xd: {  	[smem:$0x3FB3] =	sst s5  }
0xe: {  	[smem:$0x3FB4] =	sst s6  }
0xf: {  	[smem:$0x3FB5] =	sst s7  }
0x10: {  	[smem:$0x3FB6] =	sst s8  }
0x11: {  	[smem:$0x3FB7] =	sst s9;
	s0 =	simm.s32 @!p0 $0x0  }
0x12: {  	s1 =	sld [smem:$0x3F9D];
	s0 =	simm.s32 @p0 $0x1  }
0x13: {  	[smem:$0x3FB8] =	sst s0;
	s0 =	simm.s32 @!p1 $0x0  }
0x14: {  	s2 =	sld [smem:$0x3F9C];
	s0 =	simm.s32 @p1 $0x1  }
0x15: {  	[smem:$0x3FB9] =	sst s0;
	s0 =	simm.s32 @!p2 $0x0  }
0x16: {  	s3 =	sld [smem:$0x3FDB];
	s0 =	simm.s32 @p2 $0x1  }
0x17: {  	s4 =	simm.s32 $0x1BF5;
	[smem:$0x3FBB] =	sst s0  }
0x18: {  	s0 =	sld [smem:$0x3F9E];
	_ =	swait.ge [sflag:s4], $0x0  }
0x19: {  	s7 =	sld [smem:$0x3F9F]  }
0x1a: {  	s8 =	sadd.s32 $0xFFFFE003, lr  }
0x1b: {  	s9 =	sadd.s32 $0xFFFFFEF7, lr;
	s5 =	simm.s32 $0xFFFFFFFF;
	p2 =	slt.u32 s8, $0xFFFFF086  }
0x1c: {  	p1 =	slt.u32 s9, $0xF7A;
	s5 =	simm.s32 @!p2 $0x0  }
0x1d: {  	s5 =	simm.s32 @p1 $0x1;
	p0 =	seq.s32 s7, s2  }
0x1e: {  	s7 =	smul.u32 @!p0 $0xF7A, s2;
	p2 =	seq.s32 @!p0 s5, $0x0  }
0x1f: {  	s9 =	smul.u32 $0xF7A, s1;
	s8 =	simm.s32 @!p0 $0x1BF5;
	p2 =	por !p2, p0  }
0x20: {  	[sflag:s8] =	ssyncset.s32 @!p0 $0xFFFFF086;
	s6 =	sadd.s32 @!p0 s3, s7;
	s7 =	simm.s32 @!p0 $0x108  }
0x21: {  	s3 =	sadd.s32 s3, s9;
	s6 =	sadd.s32 @!p0 $0x88, s6;
	s7 =	simm.s32 @p2 $0x1082  }
0x22: {  	[simem:s7], [sflag:s8] =	dma.local @!p0 [hbm:s6], $0xF7A  }
0x23: {  	s9 =	sor.u32 $0xD0000000, s2;
	s6 =	simm.s32 $0x108;
	_ =	swait.ge @!p0 [sflag:s8], $0x0  }
0x24: {  	s3 =	sadd.s32 $0x88, s3;
	s6 =	simm.s32 @!p1 $0x1082;
	[sflag:s4] =	ssyncset.s32 $0xFFFFF086  }
0x25: {  	[simem:s6], [sflag:s4] =	dma.local [hbm:s3], $0xF7A  }
0x26: {  	[smem:$0x3F9F] =	sst s1;
	(tag) =	ssettag s2;
	_ =	strace s9  }
0x27: {  	s1 =	sld [smem:$0x3FAF]  }
0x28: {  	s2 =	sld [smem:$0x3FB0]  }
0x29: {  	s4 =	sld [smem:$0x3FB2]  }
0x2a: {  	p0 =	seq.s32 s5, $0x0;
	s5 =	sld [smem:$0x3FB3]  }
0x2b: {  	s6 =	sld [smem:$0x3FB4]  }
0x2c: {  	s7 =	sld [smem:$0x3FB5]  }
0x2d: {  	s3 =	simm.s32 $0x108;
	s8 =	sld [smem:$0x3FB6]  }
0x2e: {  	s3 =	simm.s32 @!p0 $0x1082;
	s9 =	sld [smem:$0x3FB7]  }
0x2f: {  	lr =	sadd.s32 s0, s3;
	s0 =	sld [smem:$0x3FAE]  }
0x30: {  	s3 =	sld [smem:$0x3FB1]  }
0x31: {  	[smem:$0x3FBA] =	sst s10  }
0x32: {  	s10 =	sld [smem:$0x3FB8];
	_ =	sdelay $0x3  }
0x33: {  	p0 =	seq.s32 s10, $0x1;
	s10 =	sld [smem:$0x3FBA];
	_ =	sdelay $0x3  }
0x34: {  	[smem:$0x3FBA] =	sst s10  }
0x35: {  	s10 =	sld [smem:$0x3FB9];
	_ =	sdelay $0x3  }
0x36: {  	p1 =	seq.s32 s10, $0x1;
	s10 =	sld [smem:$0x3FBA];
	_ =	sdelay $0x3  }
0x37: {  	[smem:$0x3FBA] =	sst s10  }
0x38: {  	s10 =	sld [smem:$0x3FBB]  }
0x39: {  	_ = 	snop;
	(pc) =	sbr.ind lr, $3  }
0x3a: {  	_ = 	snop  }
0x3b: {  	_ = 	snop  }
0x3c: {  	p2 =	seq.s32 s10, $0x1;
	s10 =	sld [smem:$0x3FBA]  }
0x3d: {  	_ =	shalt  }
0x3e: {  	_ =	shalt  }
0x3f: {  	_ =	shalt  }
0x40: {  	_ =	shalt  }
0x41: {  	_ =	shalt  }
0x42: {  	_ =	shalt  }
0x43: {  	_ =	shalt  }
0x44: {  	_ =	shalt  }
0x45: {  	_ =	shalt  }
0x46: {  	_ =	shalt  }
0x47: {  	_ =	shalt  }
0x48: {  	_ =	shalt  }
0x49: {  	_ =	shalt  }
0x4a: {  	_ =	shalt  }
0x4b: {  	_ =	shalt  }
0x4c: {  	_ =	shalt  }
0x4d: {  	_ =	shalt  }
0x4e: {  	_ =	shalt  }
0x4f: {  	_ =	shalt  }
0x50: {  	_ =	shalt  }
0x51: {  	_ =	shalt  }
0x52: {  	_ =	shalt  }
0x53: {  	_ =	shalt  }
0x54: {  	_ =	shalt  }
0x55: {  	_ =	shalt  }
0x56: {  	_ =	shalt  }
0x57: {  	_ =	shalt  }
0x58: {  	_ =	shalt  }
0x59: {  	_ =	shalt  }
0x5a: {  	_ =	shalt  }
0x5b: {  	_ =	shalt  }
0x5c: {  	_ =	shalt  }
0x5d: {  	_ =	shalt  }
0x5e: {  	_ =	shalt  }
0x5f: {  	_ =	shalt  }
0x60: {  	_ =	shalt  }
0x61: {  	_ =	shalt  }
0x62: {  	_ =	shalt  }
0x63: {  	_ =	shalt  }
0x64: {  	_ =	shalt  }
0x65: {  	_ =	shalt  }
0x66: {  	_ =	shalt  }
0x67: {  	_ =	shalt  }
0x68: {  	_ =	shalt  }
0x69: {  	_ =	shalt  }
0x6a: {  	_ =	shalt  }
0x6b: {  	_ =	shalt  }
0x6c: {  	_ =	shalt  }
0x6d: {  	_ =	shalt  }
0x6e: {  	_ =	shalt  }
0x6f: {  	_ =	shalt  }
0x70: {  	_ =	shalt  }
0x71: {  	_ =	shalt  }
0x72: {  	_ =	shalt  }
0x73: {  	_ =	shalt  }
0x74: {  	_ =	shalt  }
0x75: {  	_ =	shalt  }
0x76: {  	_ =	shalt  }
0x77: {  	_ =	shalt  }
0x78: {  	_ =	shalt  }
0x79: {  	_ =	shalt  }
0x7a: {  	_ =	shalt  }
0x7b: {  	_ =	shalt  }
0x7c: {  	_ =	shalt  }
0x7d: {  	_ =	shalt  }
0x7e: {  	_ =	shalt  }
0x7f: {  	_ =	shalt  }
0x80: {  	_ =	shalt  }
0x81: {  	_ =	shalt  }
0x82: {  	_ =	shalt  }
0x83: {  	_ =	shalt  }
0x84: {  	_ =	shalt  }
0x85: {  	_ =	shalt  }
0x86: {  	_ =	shalt  }
0x87: {  	_ =	shalt  }
.Lfunc_end0:
.L_simem_size_0:
called_computation.1_lowered:
.L_overlay_start_0:
0x88: {  	s2 =	sld [smem:$0x3FD9]  }
0x89: {  	s3 =	sld [smem:$0x3FFE];
	_ =	sdelay $0x1  }
0x8a: {  	s1 =	srdreg.scid  }
0x8b: {  	s0 =	sand.u32 $0x1, s1  }
0x8c: {  	s17 =	sshll.u32 s0, $0xA;
	s2 =	sadd.s32 s3, s2  }
0x8d: {  	s2 =	sadd.s32 s2, s17  }
0x8e: {  	[smem:$0x3FC6] =	sst s2  }
0x8f: {  	_ = 	snop  }
0x90: {  	s2 =	sld [smem:$0x3FD0];
	(tm) =	ssettm $0x1  }
0x91: {  	s18 =	sld [smem:$0x3FFB];
	_ =	sdelay $0x3  }
0x92: {  	_ =	strace s18  }
0x93: {  	s3 =	sld [smem:$0x3FFC];
	_ =	sdelay $0x3  }
0x94: {  	_ =	strace s3  }
0x95: {  	s3 =	sld [smem:$0x3FFD];
	_ =	sdelay $0x3  }
0x96: {  	_ =	strace s3  }
0x97: {  	_ =	strace $0x8FFFFFFF  }
0x98: {  	s19 =	sld [smem:$0x3FDB];
	_ =	sdelay $0x1  }
0x99: {  	s4 =	simm.s32 $_scs_section_size  }
0x9a: {  	s5 =	simm.s32 $_size__tile_overlayer_lowered;
	s6 =	simm.s32 $_tile_overlayer_lowered  }
0x9b: {  	s22 =	simm.s32 $0x1BFF;
	s21 =	sshll.u32 s6, $0x1;
	s3 =	sadd.s32 s4, s19  }
0x9c: {  	s7 =	simm.s32 $0x0;
	s20 =	sshll.u32 s5, $0x1;
	s5 =	sadd.s32 s21, s3  }
0x9d: {  	[timem:s7], [sflag:s22] =	dma.local [hbm:s5], s20  }
0x9e: {  	_ =	swait.ge [sflag:s22], s20  }
0x9f: {  	s4 =	ssub.s32 $0x0, s20;
	[sflag:s22] =	ssyncset.done $0x0  }
0xa0: {  	[sflag:s22] =	ssyncadd.s32 s4;
	_ =	sdelay $0x1  }
0xa1: {  	s23 =	simm.s32 $0x1B8B  }
0xa2: {  	_ =	swait.ge [sflag:s23], $0x1  }
0xa3: {  	[sflag:s23] =	ssyncset.done $0x0  }
0xa4: {  	s25 =	simm.s32 $0x1B8E;
	s24 =	sld [smem:$0x3FFE];
	[sflag:s23] =	ssyncadd.s32 $0xFFFFFFFF  }
0xa5: {  	s26 =	simm.s32 $execute0_lowered;
	[smem:$0x3FD2] =	sst s25  }
0xa6: {  	s5 =	sshll.u32 s26, $0x1;
	_ =	strace $0x80000046;
	[dreg:$0x1] =	wrdreg $0xFFFFFFFF  }
0xa7: {  	s28 =	simm.s32 $_size_execute0_lowered;
	s3 =	sadd.s32 s3, s5;
	[dreg:$0x0] =	wrdreg $0x0  }
0xa8: {  	s5 =	sshll.u32 s28, $0x1;
	[dreg:$0x2] =	wrdreg s3  }
0xa9: {  	[dreg:$0x3] =	wrdreg s5  }
0xaa: {  	[dreg:$0x4] =	wrdreg $0xC0  }
0xab: {  	_ =	task [dreg:s7], $0x5FFFF  }
0xac: {  	[dreg:$0x1] =	wrdreg $0xFFFFFFFF  }
0xad: {  	[dreg:$0x0] =	wrdreg $0x60  }
0xae: {  	[dreg:$0x2] =	wrdreg s2  }
0xaf: {  	[dreg:$0x3] =	wrdreg s24  }
0xb0: {  	[dreg:$0x4] =	wrdreg $0x9  }
0xb1: {  	_ =	task.clear_ibuf [dreg:s7], $0x5FFFF;
	_ =	strace $0x90000046  }
0xb2: {  	s29 =	simm.s32 $0x9;
	_ =	strace $0x80000048  }
0xb3: {  	_ =	swait.ge [sflag:s29], $0x1  }
0xb4: {  	[sflag:s29] =	ssyncadd.s32 $0xFFFFFFFF  }
0xb5: {  	_ =	strace $0x90000048  }
0xb6: {  	_ =	sfence  }
0xb7: {  	s30 =	sld [smem:$0x0];
	_ =	sdelay $0x2  }
0xb8: {  	s31 =	sshll.u32 s1, $0xD;
	s1 =	sshrl.u32 s1, $0x2  }
0xb9: {  	s3 =	sand.u32 $0x4000, s31;
	s1 =	sadd.s32 s1, s30  }
0xba: {  	s0 =	sor.u32 s3, s0;
	s1 =	sshll.u32 s1, $0x11  }
0xbb: {  	s0 =	sor.u32 s1, s0  }
0xbc: {  	s0 =	sadd.s32 $0x8F2B, s0  }
0xbd: {  	[sflag:s0] =	ssyncadd.remote.s32 $0x1  }
0xbe: {  	_ =	sfence.sel $0xFFFF  }
0xbf: {  	[dreg:$0x0] =	wrdreg $0xFFFFFFFF;
	(pc) =	sbr.abs _section_cstart, $3  }
0xc0: {  	[dreg:$0x1] =	wrdreg $0xFFFFFFFF  }
0xc1: {  	_ =	task.clear_ibuf [dreg:s7], $0x2FFFF;
	_ =	strace $0x9FFFFFFF  }
0xc2: {  	(tm) =	ssettm $0x7FFFFFFF  }
0xc3: {  	_ =	shalt  }
tec
execute0_lowered:
.L_overlay_start_1:
0x0: {  	(tag) =	ssettag $0x1  }
0x1: {  	s2 =	rddreg [dreg:$0x0];
	s0 =	srdreg.scid  }
0x2: {  	s10 =	stileid.u32;
	s1 =	rddreg [dreg:$0x1];
	s3 =	simm.s32 $0x0  }
0x3: {  	s12 =	simm.s32 $0x500;
	s13 =	simm.s32 $0x1;
	s14 =	simm.s32 $0x80  }
0x4: {  	s15 =	simm.s32 $0xA00;
	s28 =	simm.s32 $0x900;
	s29 =	simm.s32 $0x12A00  }
0x5: {  	s30 =	simm.s32 $0x980;
	s31 =	simm.s32 $0x13A00;
	s6 =	smul.u32 $0xC800, s10  }
0x6: {  	s16 =	simm.s32 $0x0;
	s0 =	sand.u32 $0x1, s0;
	s25 =	smul.u32 $0xC8000, s10  }
0x7: {  	s4 =	sshll.u32 s10, $0x1;
	[smem:$0x7FF] =	sst s3;
	s8 =	smul.u32 $0x6400, s0  }
0x8: {  	s4 =	sor.u32 s0, s4;
	s7 =	ssub.s32 $0x2, s0;
	s0 =	smul.u32 $0x64000, s0  }
0x9: {  	_ =	strace $0x80000047;
	s5 =	smul.u32 $0x6400, s4;
	s9 =	sshrl.u32 s7, $0x1  }
0xa: {  	s4 =	sadd.s32 $0x800, s1;
	s1 =	sadd.s32 $0x19800, s1;
	s7 =	ssub.s32 s7, s9  }
0xb: {  	s20 =	sadd.s32 s8, s6;
	s5 =	sshrl.u32 s5, $0x3;
	s22 =	smax.u32 s7, $0x1  }
0xc: {  	s23 =	sadd.s32 $0xF00, s20;
	s24 =	sshll.u32 s20, $0x4;
	s7 =	simm.s32 $0xAA00  }
0xd: {  	s19 =	sadd.s32 s4, s5;
	[dreg:$0x5] =	wrdreg s22;
	s6 =	sshrl.u32 s23, $0x3  }
0xe: {  	s26 =	sadd.s32 s1, s24;
	s5 =	sadd.s32 $0xA00, s20;
	s1 =	sadd.s32 s25, s1  }
0xf: {  	s20 =	simm.s32 $0xEA00;
	s22 =	simm.s32 $0xFA00;
	s23 =	simm.s32 $0x800  }
0x10: {  	s24 =	simm.s32 $0x10A00;
	s25 =	simm.s32 $0x880;
	[dreg:$0x3] =	wrdreg s19  }
.Ltmp0:
0x11: {  	s21 =	sadd.s32 $0xA0, s19;
	s6 =	sadd.s32 s6, s4;
	(pc) =	sbr.rel .LBB2_1-.Ltmp0, $4  }
0x12: {  	s9 =	sadd.s32 $0x5000, s26;
	[dreg:$0x7] =	wrdreg s5;
	s11 =	sadd.s32 s0, s1  }
0x13: {  	s19 =	simm.s32 $0x700;
	s26 =	simm.s32 $0x11A00;
	s1 =	simm.s32 $0x3  }
0x14: {  	s0 =	simm.s32 $0x20;
	s5 =	simm.s32 $0x4;
	[dreg:$0x4] =	wrdreg s21  }
0x15: {  	[dreg:$0x6] =	wrdreg s6;
	s6 =	simm.s32 $0x2;
	s21 =	simm.s32 $0x780  }
.LBB2_4:
0x16: {  	s8 =	simm.s32 $0x5  }
0x17: {  	_ =	swait.ge [sflag:s8], $0xA000  }
0x18: {  	[sflag:s8] =	ssyncset.done $0x0  }
0x19: {  	s10 =	simm.s32 $0x6;
	[sflag:s8] =	ssyncadd.s32 $0xFFFF6000  }
0x1a: {  	_ =	swait.ge [sflag:s10], $0xA000  }
0x1b: {  	s16 =	rddreg [dreg:$0x8]  }
0x1c: {  	s18 =	rddreg [dreg:$0x5];
	s16 =	sadd.s32 $0x1, s16  }
0x1d: {  	p0 =	sne.s32 s16, s18  }
.Ltmp1:
0x1e: {  	_ = 	snop;
	(pc) =	sbr.rel @!p0 .LBB2_5-.Ltmp1, $3  }
0x1f: {  	_ =	sdelay $0x1  }
0x20: {  	[sflag:s10] =	ssyncset.done $0x0  }
0x21: {  	[sflag:s10] =	ssyncadd.s32 $0xFFFF6000  }
.LBB2_1:
0x22: {  	[dreg:$0x8] =	wrdreg s16  }
0x23: {  	s8 =	rddreg [dreg:$0x3]  }
0x24: {  	s18 =	rddreg [dreg:$0x4]  }
0x25: {  	s10 =	rddreg [dreg:$0x6]  }
0x26: {  	[tilespmem:s3], [sflag:$0x1] =	stream.linear.gather [hbm4b:s8+s3], $0x500, $0x38;
	[tilespmem:$0x14A00] =	vst v63  }
0x27: {  	s16 =	simm.s32 $0x0;
	s8 =	rddreg [dreg:$0x7]  }
0x28: {  	[tilespmem:s12], [sflag:$0x2] =	stream.linear.gather [hbm4b:s18+s3], $0x500, $0x38;
	[tilespmem:$0x14A00] =	vst v63  }
.LBB2_2:
0x29: {  	p0 =	seq.s32 s16, $0x0  }
0x2a: {  	s17 =	simm.s32 @!p0 $0x5  }
0x2b: {  	_ =	swait.ge @!p0 [sflag:s17], $0xA000  }
0x2c: {  	[sflag:s17] =	ssyncset.done @!p0 $0x0  }
0x2d: {  	[sflag:s17] =	ssyncadd.s32 @!p0 $0xFFFF6000  }
0x2e: {  	_ =	swait.ge [sflag:s13], $0x500  }
0x2f: {  	[sflag:s13] =	ssyncset.done $0x0  }
0x30: {  	[sflag:s13] =	ssyncadd.s32 $0xFFFFFB00  }
0x31: {  	[tilespmem:s15], [sflag:$0x3] =	stream.indirect.gather [hbm4b:s2+s14], $0x20, s3, s14, $0xb8;
	[tilespmem:$0x14A00] =	vst v63  }
0x32: {  	s18 =	simm.s32 $0x1A00  }
0x33: {  	[tilespmem:s18], [sflag:$0x3] =	stream.indirect.gather [hbm4b:s2+s14], $0x20, s14, s14, $0xb8;
	[tilespmem:$0x14A00] =	vst v63  }
0x34: {  	s17 =	simm.s32 $0x100;
	s18 =	simm.s32 $0x2A00  }
0x35: {  	[tilespmem:s18], [sflag:$0x3] =	stream.indirect.gather [hbm4b:s2+s14], $0x20, s17, s14, $0xb8;
	[tilespmem:$0x14A00] =	vst v63  }
0x36: {  	s17 =	simm.s32 $0x180;
	s18 =	simm.s32 $0x3A00  }
0x37: {  	[tilespmem:s18], [sflag:$0x3] =	stream.indirect.gather [hbm4b:s2+s14], $0x20, s17, s14, $0xb8;
	[tilespmem:$0x14A00] =	vst v63  }
0x38: {  	s17 =	simm.s32 $0x200;
	s18 =	simm.s32 $0x4A00  }
0x39: {  	[tilespmem:s18], [sflag:$0x3] =	stream.indirect.gather [hbm4b:s2+s14], $0x20, s17, s14, $0xb8;
	[tilespmem:$0x14A00] =	vst v63  }
0x3a: {  	s17 =	simm.s32 $0x280;
	s18 =	simm.s32 $0x5A00  }
0x3b: {  	[tilespmem:s18], [sflag:$0x3] =	stream.indirect.gather [hbm4b:s2+s14], $0x20, s17, s14, $0xb8;
	[tilespmem:$0x14A00] =	vst v63  }
0x3c: {  	s17 =	simm.s32 $0x300;
	s18 =	simm.s32 $0x6A00  }
0x3d: {  	[tilespmem:s18], [sflag:$0x3] =	stream.indirect.gather [hbm4b:s2+s14], $0x20, s17, s14, $0xb8;
	[tilespmem:$0x14A00] =	vst v63  }
0x3e: {  	s17 =	simm.s32 $0x380;
	s18 =	simm.s32 $0x7A00  }
0x3f: {  	[tilespmem:s18], [sflag:$0x3] =	stream.indirect.gather [hbm4b:s2+s14], $0x20, s17, s14, $0xb8;
	[tilespmem:$0x14A00] =	vst v63  }
0x40: {  	s17 =	simm.s32 $0x400;
	s18 =	simm.s32 $0x8A00  }
0x41: {  	[tilespmem:s18], [sflag:$0x3] =	stream.indirect.gather [hbm4b:s2+s14], $0x20, s17, s14, $0xb8;
	[tilespmem:$0x14A00] =	vst v63  }
0x42: {  	s17 =	simm.s32 $0x480;
	s18 =	simm.s32 $0x9A00  }
0x43: {  	[tilespmem:s18], [sflag:$0x3] =	stream.indirect.gather [hbm4b:s2+s14], $0x20, s17, s14, $0xb8;
	[tilespmem:$0x14A00] =	vst v63  }
0x44: {  	s17 =	simm.s32 @!p0 $0x6  }
0x45: {  	_ =	swait.ge @!p0 [sflag:s17], $0xA000  }
0x46: {  	[sflag:s17] =	ssyncset.done @!p0 $0x0  }
0x47: {  	[sflag:s17] =	ssyncadd.s32 @!p0 $0xFFFF6000  }
0x48: {  	_ =	swait.ge [sflag:s6], $0x500  }
0x49: {  	[sflag:s6] =	ssyncset.done $0x0  }
0x4a: {  	[sflag:s6] =	ssyncadd.s32 $0xFFFFFB00  }
0x4b: {  	[tilespmem:s7], [sflag:$0x4] =	stream.indirect.gather [hbm4b:s2+s14], $0x20, s12, s14, $0xb8;
	[tilespmem:$0x14A00] =	vst v63  }
0x4c: {  	s18 =	simm.s32 $0xBA00;
	s17 =	simm.s32 $0x580  }
0x4d: {  	[tilespmem:s18], [sflag:$0x4] =	stream.indirect.gather [hbm4b:s2+s14], $0x20, s17, s14, $0xb8;
	[tilespmem:$0x14A00] =	vst v63  }
0x4e: {  	s17 =	simm.s32 $0x600;
	s18 =	simm.s32 $0xCA00  }
0x4f: {  	[tilespmem:s18], [sflag:$0x4] =	stream.indirect.gather [hbm4b:s2+s14], $0x20, s17, s14, $0xb8;
	[tilespmem:$0x14A00] =	vst v63  }
0x50: {  	s17 =	simm.s32 $0x680;
	s18 =	simm.s32 $0xDA00  }
0x51: {  	[tilespmem:s18], [sflag:$0x4] =	stream.indirect.gather [hbm4b:s2+s14], $0x20, s17, s14, $0xb8;
	[tilespmem:$0x14A00] =	vst v63  }
0x52: {  	_ = 	snop  }
0x53: {  	[tilespmem:s20], [sflag:$0x4] =	stream.indirect.gather [hbm4b:s2+s14], $0x20, s19, s14, $0xb8;
	[tilespmem:$0x14A00] =	vst v63  }
0x54: {  	_ = 	snop  }
0x55: {  	[tilespmem:s22], [sflag:$0x4] =	stream.indirect.gather [hbm4b:s2+s14], $0x20, s21, s14, $0xb8;
	[tilespmem:$0x14A00] =	vst v63  }
0x56: {  	_ = 	snop  }
0x57: {  	[tilespmem:s24], [sflag:$0x4] =	stream.indirect.gather [hbm4b:s2+s14], $0x20, s23, s14, $0xb8;
	[tilespmem:$0x14A00] =	vst v63  }
0x58: {  	_ = 	snop  }
0x59: {  	[tilespmem:s26], [sflag:$0x4] =	stream.indirect.gather [hbm4b:s2+s14], $0x20, s25, s14, $0xb8;
	[tilespmem:$0x14A00] =	vst v63  }
0x5a: {  	_ = 	snop  }
0x5b: {  	[tilespmem:s29], [sflag:$0x4] =	stream.indirect.gather [hbm4b:s2+s14], $0x20, s28, s14, $0xb8;
	[tilespmem:$0x14A00] =	vst v63  }
0x5c: {  	_ = 	snop  }
0x5d: {  	[tilespmem:s31], [sflag:$0x4] =	stream.indirect.gather [hbm4b:s2+s14], $0x20, s30, s14, $0xb8;
	[tilespmem:$0x14A00] =	vst v63  }
0x5e: {  	_ =	swait.ge [sflag:s1], $0x1000  }
0x5f: {  	[sflag:s1] =	ssyncset.done $0x0  }
0x60: {  	[sflag:s1] =	ssyncadd.s32 $0xFFFFF000  }
0x61: {  	_ =	swait.ge [sflag:s1], $0x1000  }
0x62: {  	[sflag:s1] =	ssyncset.done $0x0  }
0x63: {  	[sflag:s1] =	ssyncadd.s32 $0xFFFFF000  }
0x64: {  	_ =	swait.ge [sflag:s1], $0x1000  }
0x65: {  	[sflag:s1] =	ssyncset.done $0x0  }
0x66: {  	[sflag:s1] =	ssyncadd.s32 $0xFFFFF000  }
0x67: {  	_ =	swait.ge [sflag:s1], $0x1000  }
0x68: {  	[sflag:s1] =	ssyncset.done $0x0  }
0x69: {  	[sflag:s1] =	ssyncadd.s32 $0xFFFFF000  }
0x6a: {  	_ =	swait.ge [sflag:s1], $0x1000  }
0x6b: {  	[sflag:s1] =	ssyncset.done $0x0  }
0x6c: {  	[sflag:s1] =	ssyncadd.s32 $0xFFFFF000  }
0x6d: {  	_ =	swait.ge [sflag:s1], $0x1000  }
0x6e: {  	[sflag:s1] =	ssyncset.done $0x0  }
0x6f: {  	[sflag:s1] =	ssyncadd.s32 $0xFFFFF000  }
0x70: {  	_ =	swait.ge [sflag:s1], $0x1000  }
0x71: {  	[sflag:s1] =	ssyncset.done $0x0  }
0x72: {  	[sflag:s1] =	ssyncadd.s32 $0xFFFFF000  }
0x73: {  	_ =	swait.ge [sflag:s1], $0x1000  }
0x74: {  	[sflag:s1] =	ssyncset.done $0x0  }
0x75: {  	[sflag:s1] =	ssyncadd.s32 $0xFFFFF000  }
0x76: {  	_ =	swait.ge [sflag:s1], $0x1000  }
0x77: {  	[sflag:s1] =	ssyncset.done $0x0  }
0x78: {  	[sflag:s1] =	ssyncadd.s32 $0xFFFFF000  }
0x79: {  	_ =	swait.ge [sflag:s1], $0x1000  }
0x7a: {  	p0 =	seq.s32 s16, $0x5A000;
	[sflag:s1] =	ssyncset.done $0x0  }
0x7b: {  	s18 =	sadd.s32 s16, s11;
	s17 =	sshrl.u32 @!p0 s8, $0x3;
	[sflag:s1] =	ssyncadd.s32 $0xFFFFF000  }
0x7c: {  	[hbm4b:s18+s0] =	stream.strided.scatter [tilespmem:s15], [sflag:$0x5], $0xA000, s14, s0, $0x38;
	[tilespmem:$0x14A00] =	vst v63  }
0x7d: {  	s17 =	sadd.s32 @!p0 s4, s17;
	s18 =	simm.s32 @!p0 $0x0  }
0x7e: {  	[tilespmem:s18], [sflag:$0x1] =	stream.linear.gather @!p0 [hbm4b:s17+s18], $0x500, $0x38;
	[tilespmem:$0x14A00] =	vst v63  }
0x7f: {  	_ =	swait.ge [sflag:s5], $0x1000  }
0x80: {  	[sflag:s5] =	ssyncset.done $0x0  }
0x81: {  	[sflag:s5] =	ssyncadd.s32 $0xFFFFF000  }
0x82: {  	_ =	swait.ge [sflag:s5], $0x1000  }
0x83: {  	[sflag:s5] =	ssyncset.done $0x0  }
0x84: {  	[sflag:s5] =	ssyncadd.s32 $0xFFFFF000  }
0x85: {  	_ =	swait.ge [sflag:s5], $0x1000  }
0x86: {  	[sflag:s5] =	ssyncset.done $0x0  }
0x87: {  	[sflag:s5] =	ssyncadd.s32 $0xFFFFF000  }
0x88: {  	_ =	swait.ge [sflag:s5], $0x1000  }
0x89: {  	[sflag:s5] =	ssyncset.done $0x0  }
0x8a: {  	[sflag:s5] =	ssyncadd.s32 $0xFFFFF000  }
0x8b: {  	_ =	swait.ge [sflag:s5], $0x1000  }
0x8c: {  	[sflag:s5] =	ssyncset.done $0x0  }
0x8d: {  	[sflag:s5] =	ssyncadd.s32 $0xFFFFF000  }
0x8e: {  	_ =	swait.ge [sflag:s5], $0x1000  }
0x8f: {  	[sflag:s5] =	ssyncset.done $0x0  }
0x90: {  	[sflag:s5] =	ssyncadd.s32 $0xFFFFF000  }
0x91: {  	_ =	swait.ge [sflag:s5], $0x1000  }
0x92: {  	[sflag:s5] =	ssyncset.done $0x0  }
0x93: {  	[sflag:s5] =	ssyncadd.s32 $0xFFFFF000  }
0x94: {  	_ =	swait.ge [sflag:s5], $0x1000  }
0x95: {  	[sflag:s5] =	ssyncset.done $0x0  }
0x96: {  	[sflag:s5] =	ssyncadd.s32 $0xFFFFF000  }
0x97: {  	_ =	swait.ge [sflag:s5], $0x1000  }
0x98: {  	[sflag:s5] =	ssyncset.done $0x0  }
.Ltmp2:
0x99: {  	[sflag:s5] =	ssyncadd.s32 $0xFFFFF000;
	(pc) =	sbr.rel @p0 .LBB2_4-.Ltmp2, $4  }
0x9a: {  	_ =	swait.ge [sflag:s5], $0x1000  }
0x9b: {  	[sflag:s5] =	ssyncset.done $0x0  }
0x9c: {  	s18 =	sadd.s32 s16, s9;
	[sflag:s5] =	ssyncadd.s32 $0xFFFFF000  }
0x9d: {  	[hbm4b:s18+s0] =	stream.strided.scatter [tilespmem:s7], [sflag:$0x6], $0xA000, s14, s0, $0x38;
	[tilespmem:$0x14A00] =	vst v63  }
.Ltmp3:
0x9e: {  	(pc) =	sbr.rel .LBB2_2-.Ltmp3, $3  }
0x9f: {  	_ =	sdelay $0x1  }
0xa0: {  	[tilespmem:s12], [sflag:$0x2] =	stream.linear.gather [hbm4b:s10+s3], $0x500, $0x38;
	[tilespmem:$0x14A00] =	vst v63  }
0xa1: {  	s16 =	sadd.s32 $0xA000, s16;
	s10 =	sadd.s32 $0x140, s10;
	s8 =	sadd.s32 $0xA00, s8  }
.LBB2_5:
0xa2: {  	_ =	sfence.sel $0x180000  }
0xa3: {  	[bflag:$0x0] =	sbarrier.arrive $0xFFFF  }
0xa4: {  	_ =	strace $0x90000047  }
0xa5: {  	s0 =	stileid.u32;
	[bflag:$0x2] =	sbarrier.arrive $0xFFFF  }
0xa6: {  	p0 =	sne.s32 s0, $0x0;
	s0 =	rddreg [dreg:$0x2]  }
0xa7: {  	s0 =	sadd.s32 @!p0 $0x100000, s0  }
0xa8: {  	[sflag:s0] =	ssyncadd.tile.s32 @!p0 $0x1;
	_ =	shalt  }
.Lfunc_end2:
_tile_overlayer_lowered:
.L_overlay_start_2:
0xa9: {  	(tag) =	ssettag $0x2  }
0xaa: {  	s0 =	rddreg [dreg:$0x0];
	s2 =	stileid.u32  }
0xab: {  	s1 =	rddreg [dreg:$0x1];
	p0 =	sne.s32 s2, $0x0  }
0xac: {  	s3 =	rddreg [dreg:$0x2];
	[bflag:$0x3] =	sbarrier.arrive $0xFFFF;
	s2 =	simm.s32 @!p0 $0x1C07  }
0xad: {  	[timem:s3], [sflag:s2] =	dma.local @!p0 [hbm:s0], s1  }
0xae: {  	s0 =	simm.s32 @!p0 $0x7  }
0xaf: {  	_ =	swait.ge @!p0 [sflag:s0], s1  }
0xb0: {  	s1 =	ssub.s32 @!p0 $0x0, s1;
	[sflag:s0] =	ssyncset.done @!p0 $0x0  }
0xb1: {  	[sflag:s0] =	ssyncadd.s32 @!p0 s1  }
0xb2: {  	[bflag:$0x3] =	sbarrier.arrive $0xFFFF  }
0xb3: {  	_ =	shalt  }

// kernel: sparse-core-data-format-call.cloned.1.call-start
scs
called_computation_lowered:
.L_overlay_start_0:
0x0: {  	s2 =	sld [smem:$0x3FD9]  }
0x1: {  	s3 =	sld [smem:$0x3FFE];
	_ =	sdelay $0x1  }
0x2: {  	s1 =	srdreg.scid  }
0x3: {  	s0 =	sand.u32 $0x1, s1  }
0x4: {  	s18 =	sshll.u32 s0, $0xA;
	s2 =	sadd.s32 s3, s2  }
0x5: {  	s2 =	sadd.s32 s2, s18  }
0x6: {  	[smem:$0x3FC6] =	sst s2  }
0x7: {  	_ = 	snop  }
0x8: {  	s2 =	sld [smem:$0x3FD0];
	(tm) =	ssettm $0x1  }
0x9: {  	s19 =	sld [smem:$0x3FFB];
	_ =	sdelay $0x3  }
0xa: {  	_ =	strace s19  }
0xb: {  	s3 =	sld [smem:$0x3FFC];
	_ =	sdelay $0x3  }
0xc: {  	_ =	strace s3  }
0xd: {  	s3 =	sld [smem:$0x3FFD];
	_ =	sdelay $0x3  }
0xe: {  	_ =	strace s3  }
0xf: {  	_ =	strace $0x8FFFFFFF  }
0x10: {  	s20 =	sld [smem:$0x3FDB];
	_ =	sdelay $0x1  }
0x11: {  	s4 =	simm.s32 $_scs_section_size  }
0x12: {  	s5 =	simm.s32 $_size__tile_overlayer_lowered;
	s6 =	simm.s32 $_tile_overlayer_lowered  }
0x13: {  	s23 =	simm.s32 $0x1BFF;
	s22 =	sshll.u32 s6, $0x1;
	s3 =	sadd.s32 s4, s20  }
0x14: {  	s7 =	simm.s32 $0x0;
	s21 =	sshll.u32 s5, $0x1;
	s5 =	sadd.s32 s22, s3  }
0x15: {  	[timem:s7], [sflag:s23] =	dma.local [hbm:s5], s21  }
0x16: {  	_ =	swait.ge [sflag:s23], s21  }
0x17: {  	s4 =	ssub.s32 $0x0, s21;
	[sflag:s23] =	ssyncset.done $0x0  }
0x18: {  	[sflag:s23] =	ssyncadd.s32 s4;
	_ =	sdelay $0x1  }
0x19: {  	s24 =	simm.s32 $0x1B8B  }
0x1a: {  	_ =	swait.ge [sflag:s24], $0x1  }
0x1b: {  	[sflag:s24] =	ssyncset.done $0x0  }
0x1c: {  	s26 =	simm.s32 $0x1B8E;
	s25 =	sld [smem:$0x3FFE];
	[sflag:s24] =	ssyncadd.s32 $0xFFFFFFFF  }
0x1d: {  	s27 =	simm.s32 $execute0_lowered;
	[smem:$0x3FD2] =	sst s26  }
0x1e: {  	s5 =	sshll.u32 s27, $0x1;
	_ =	strace $0x80000049;
	[dreg:$0x1] =	wrdreg $0xFFFFFFFF  }
0x1f: {  	s28 =	simm.s32 $_size_execute0_lowered;
	s3 =	sadd.s32 s3, s5;
	[dreg:$0x0] =	wrdreg $0x0  }
0x20: {  	s5 =	sshll.u32 s28, $0x1;
	[dreg:$0x2] =	wrdreg s3  }
0x21: {  	[dreg:$0x3] =	wrdreg s5  }
0x22: {  	[dreg:$0x4] =	wrdreg $0xC0  }
0x23: {  	_ =	task [dreg:s7], $0x5FFFF  }
0x24: {  	[dreg:$0x1] =	wrdreg $0xFFFFFFFF  }
0x25: {  	[dreg:$0x0] =	wrdreg $0x60  }
0x26: {  	[dreg:$0x2] =	wrdreg s25  }
0x27: {  	[dreg:$0x3] =	wrdreg s2  }
0x28: {  	[dreg:$0x4] =	wrdreg $0x9  }
0x29: {  	_ =	task.clear_ibuf [dreg:s7], $0x5FFFF;
	_ =	strace $0x90000049  }
0x2a: {  	s29 =	simm.s32 $0x9;
	_ =	strace $0x8000004B  }
0x2b: {  	_ =	swait.ge [sflag:s29], $0x1  }
0x2c: {  	[sflag:s29] =	ssyncadd.s32 $0xFFFFFFFF  }
0x2d: {  	_ =	strace $0x9000004B  }
0x2e: {  	_ =	sfence  }
0x2f: {  	s30 =	sld [smem:$0x0];
	_ =	sdelay $0x2  }
0x30: {  	s31 =	sshll.u32 s1, $0xD;
	s1 =	sshrl.u32 s1, $0x2  }
0x31: {  	s3 =	sand.u32 $0x4000, s31;
	s1 =	sadd.s32 s1, s30  }
0x32: {  	s0 =	sor.u32 s3, s0;
	s1 =	sshll.u32 s1, $0x11  }
0x33: {  	s0 =	sor.u32 s1, s0  }
0x34: {  	s0 =	sadd.s32 $0x8F2B, s0  }
0x35: {  	[sflag:s0] =	ssyncadd.remote.s32 $0x1  }
0x36: {  	_ =	sfence.sel $0xFFFF  }
0x37: {  	[dreg:$0x0] =	wrdreg $0xFFFFFFFF;
	(pc) =	sbr.abs _section_cstart, $3  }
0x38: {  	[dreg:$0x1] =	wrdreg $0xFFFFFFFF  }
0x39: {  	_ =	task.clear_ibuf [dreg:s7], $0x2FFFF;
	_ =	strace $0x9FFFFFFF  }
0x3a: {  	(tm) =	ssettm $0x7FFFFFFF  }
0x3b: {  	_ =	shalt  }
tec
execute0_lowered:
.L_overlay_start_1:
0x0: {  	(tag) =	ssettag $0x1  }
0x1: {  	s0 =	srdreg.scid;
	s4 =	rddreg [dreg:$0x0]  }
0x2: {  	s2 =	rddreg [dreg:$0x1];
	s31 =	simm.s32 $0x2;
	s1 =	sshll.u32 s0, $0x4  }
0x3: {  	s16 =	simm.s32 $0x0;
	s0 =	stileid.u32;
	s1 =	sand.u32 $0x10, s1  }
0x4: {  	s11 =	simm.s32 $0x200;
	s12 =	simm.s32 $0xC8000;
	s5 =	sor.u32 s0, s1  }
0x5: {  	s17 =	simm.s32 $0x0;
	s13 =	simm.s32 $0x0;
	s3 =	sshll.u32 s5, $0x7  }
0x6: {  	s14 =	simm.s32 $0x0;
	s15 =	simm.s32 $0x0;
	s6 =	ssub.s32 $0x1000, s3  }
0x7: {  	s1 =	rddreg [dreg:$0x2];
	s5 =	sshll.u32 s5, $0xB;
	s7 =	sand.u32 $0xF80, s6  }
0x8: {  	s9 =	sadd.s32 s5, s4;
	s5 =	simm.s32 $0x1;
	p0 =	sne.s32 s7, $0x0  }
.Ltmp0:
0x9: {  	s6 =	sshrl.u32 s6, $0xC;
	s5 =	simm.s32 @!p0 $0x0;
	(pc) =	sbr.rel .LBB1_1-.Ltmp0, $4  }
0xa: {  	_ =	strace $0x8000004A;
	s4 =	simm.s32 $0x1;
	s5 =	sadd.s32 s5, s6  }
0xb: {  	[sflag:s4] =	ssyncpa.u1 $0x0;
	s8 =	sadd.s32 $0x39800, s9;
	s5 =	smul.u32 $0x32, s5  }
0xc: {  	[sflag:s31] =	ssyncpa.u1 $0x0;
	s7 =	sadd.s32 $0x29800, s9;
	p0 =	por $0x0, $0x0  }
0xd: {  	s6 =	sadd.s32 $0x19800, s9;
	s9 =	sadd.s32 $0x49800, s9;
	s10 =	sor.u32 $0x1, s5  }
.LBB1_7:
0xe: {  	p1 =	slt.u32 s15, $0x2  }
0xf: {  	p2 =	sgt.s32 @!p1 s16, $0xC4  }
0x10: {  	s17 =	smov.u32 s16;
	s18 =	sshra.s32 @!p1 s16, $0x1F;
	p2 =	por !p2, p1  }
0x11: {  	s16 =	sand.u32 @!p1 s18, s16;
	s17 =	simm.s32 @p2 $0xC4  }
0x12: {  	s16 =	ssub.s32 @!p1 s17, s16  }
0x13: {  	s17 =	ssub.s32 @!p1 $0xC8, s16  }
0x14: {  	s16 =	sadd.s32 @!p1 $0xFFFFFF3C, s16;
	s17 =	smul.u32 @!p1 $0xC80, s17  }
0x15: {  	p2 =	sgt.s32 @!p1 s16, $0x3  }
0x16: {  	s18 =	sadd.s32 $0x4, s14;
	p2 =	por !p2, p1;
	s16 =	sand.u32 @!p1 $0x3FFFFF80, s17  }
0x17: {  	s16 =	simm.s32 @!p2 $0x0;
	p2 =	sgt.s32 s18, $0xC7  }
0x18: {  	s18 =	simm.s32 @p2 $0x0;
	p2 =	sne.s32 s15, s10  }
.Ltmp1:
0x19: {  	_ = 	snop;
	(pc) =	sbr.rel @!p2 .LBB1_8-.Ltmp1, $4  }
0x1a: {  	p0 =	por !p0, !p0;
	s17 =	simm.s32 @!p1 $0x2  }
0x1b: {  	_ =	swait.ge @!p1 [sflag:s17], s16;
	s19 =	ssub.s32 @!p1 $0x0, s16;
	s16 =	smov.u32 s13  }
0x1c: {  	s15 =	sadd.s32 $0x1, s15;
	s13 =	smov.u32 s14;
	[sflag:s17] =	ssyncset.done @!p1 $0x0  }
0x1d: {  	s14 =	smov.u32 s18;
	[sflag:s17] =	ssyncadd.s32 @!p1 s19;
	s17 =	smov.u32 s3  }
.LBB1_1:
0x1e: {  	p1 =	sge.u32 s15, s5  }
0x1f: {  	s18 =	sxor.u32 @!p1 $0xFFFFFFFF, s15  }
0x20: {  	s19 =	sshll.u32 @!p1 s14, $0x10;
	s21 =	simm.s32 @!p1 $0x20;
	s18 =	sshll.u32 @!p1 s18, $0xE  }
0x21: {  	s22 =	simm.s32 @!p1 $0x80;
	s20 =	sadd.s32 @!p1 s19, s6;
	s18 =	sand.u32 @!p1 $0x4000, s18  }
0x22: {  	[tilespmem:s18], [sflag:$0x1] =	stream.strided.gather @!p1 [hbm4b:s20+s21], $0x1000, s22, s21, $0x38;
	[tilespmem:$0x10100] =	vst v63  }
0x23: {  	s20 =	sadd.s32 @!p1 s19, s7;
	s23 =	sor.u32 @!p1 $0x1000, s18  }
0x24: {  	[tilespmem:s23], [sflag:$0x1] =	stream.strided.gather @!p1 [hbm4b:s20+s21], $0x1000, s22, s21, $0x38;
	[tilespmem:$0x10100] =	vst v63  }
0x25: {  	s20 =	sadd.s32 @!p1 s19, s8;
	s23 =	sor.u32 @!p1 $0x2000, s18  }
0x26: {  	[tilespmem:s23], [sflag:$0x1] =	stream.strided.gather @!p1 [hbm4b:s20+s21], $0x1000, s22, s21, $0x38;
	[tilespmem:$0x10100] =	vst v63  }
0x27: {  	s31 =	sadd.s32 $0xFFFFFFFF, s15;
	s19 =	sadd.s32 @!p1 s19, s9;
	s18 =	sor.u32 @!p1 $0x3000, s18  }
0x28: {  	[tilespmem:s18], [sflag:$0x1] =	stream.strided.gather @!p1 [hbm4b:s19+s21], $0x1000, s22, s21, $0x38;
	[tilespmem:$0x10100] =	vst v63  }
0x29: {  	p1 =	sge.u32 s31, s5  }
.Ltmp2:
0x2a: {  	_ = 	snop;
	(pc) =	sbr.rel @p1 .LBB1_7-.Ltmp2, $1  }
0x2b: {  	_ =	sdelay $0x3  }
0x2c: {  	s18 =	simm.s32 $0x1;
	s20 =	sand.u32 $0x1, s15  }
0x2d: {  	_ =	swait.ge [sflag:s4], $0x4000;
	s18 =	simm.s32 @!p0 $0x0;
	s21 =	smul.u32 $0x10200, s20  }
0x2e: {  	[sflag:s4] =	ssyncset.done $0x0;
	s19 =	smul.u32 $0x10200, s18  }
0x2f: {  	s18 =	sshll.u32 s18, $0xE;
	[sflag:s4] =	ssyncadd.s32 $0xFFFFC000  }
0x30: {  	s20 =	sor.u32 $0x10, s18;
	s31 =	sshrl.u32 s21, $0x2;
	s19 =	sshrl.u32 s19, $0x2  }
0x31: {  	s21 =	simm.s32 $0x0;
	s18 =	sor.u32 $0x8000, s31;
	s19 =	sor.u32 $0x8000, s19  }
.LBB1_3:
0x32: {  	v1 =	vld [tilespmem:s20+$0x0]  }
0x33: {  	v0 =	vld [tilespmem:s20+$0xFFFFFFF0];
	_ =	sdelay $0x2  }
0x34: {  	s24 =	sadd.s32 $0x0, s19  }
0x35: {  	s22 =	simm.s32 $0x4;
	s23 =	sadd.s32 $0x20, s20;
	[tilespmem:s24+$0x2040 ss:$0x204] =	vst.msk $0xffff, v1  }
.LBB1_4:
0x36: {  	v1 =	vld [tilespmem:s23+$0x0];
	p1 =	sne.s32 s22, $0x1FC;
	[tilespmem:s24+$0x0 ss:$0x204] =	vst.msk $0xffff, v0;
	s24 =	smov.u32 s22;
	s22 =	sadd.s32 $0x4, s22  }
.Ltmp3:
0x37: {  	v0 =	vld [tilespmem:s23+$0xFFFFFFF0];
	(pc) =	sbr.rel @p1 .LBB1_4-.Ltmp3, $4  }
0x38: {  	_ = 	snop  }
0x39: {  	s24 =	sshra.s32 s24, $0x2  }
0x3a: {  	s24 =	sadd.s32 s24, s19  }
0x3b: {  	s23 =	sadd.s32 $0x20, s23;
	[tilespmem:s24+$0x2040 ss:$0x204] =	vst.msk $0xffff, v1  }
0x3c: {  	s21 =	sadd.s32 $0x1, s21  }
0x3d: {  	p1 =	sne.s32 s21, $0x4  }
.Ltmp4:
0x3e: {  	_ = 	snop;
	(pc) =	sbr.rel @p1 .LBB1_3-.Ltmp4, $2  }
0x3f: {  	_ =	sdelay $0x2  }
0x40: {  	[tilespmem:s24+$0x0 ss:$0x204] =	vst.msk $0xffff, v0;
	s19 =	sadd.s32 $0x81, s19;
	s20 =	sadd.s32 $0x1000, s20  }
0x41: {  	s19 =	sshll.u32 s13, $0xC;
	s17 =	sshll.u32 s17, $0x3;
	p1 =	sgt.s32 s13, $0xC4  }
0x42: {  	s21 =	smov.u32 s13;
	s22 =	sshra.s32 s13, $0x1F;
	s19 =	sand.u32 $0xFFFF8000, s19  }
0x43: {  	s21 =	simm.s32 @!p1 $0xC4;
	s22 =	sand.u32 s22, s13;
	s19 =	sadd.s32 s17, s19  }
0x44: {  	s21 =	ssub.s32 s21, s22;
	s19 =	sshrl.u32 s19, $0xC  }
0x45: {  	s29 =	ssub.s32 $0xC8, s21;
	s23 =	smulhi.u32 $0x147AE15, s19  }
0x46: {  	s20 =	sshll.u32 s13, $0x7;
	s31 =	smul.u32 $0xC80, s29  }
0x47: {  	s20 =	sand.u32 $0x380, s20;
	s17 =	sand.u32 $0xC00, s17;
	s28 =	smul.u32 $0xC8, s23  }
.Ltmp5:
0x48: {  	s17 =	sor.u32 s20, s17;
	s30 =	sadd.s32 $0xFFFFFF3C, s21;
	(pc) =	sbr.rel .LBB1_7-.Ltmp5, $4  }
0x49: {  	p1 =	sgt.s32 s30, $0x3;
	s17 =	sshrl.u32 s17, $0x3;
	s19 =	ssub.s32 s19, s28  }
0x4a: {  	s17 =	sadd.s32 s2, s17;
	s20 =	sand.u32 $0x3FFFFF80, s31;
	s19 =	sshll.u32 s19, $0x9  }
0x4b: {  	s20 =	simm.s32 @p1 $0x0;
	s17 =	sadd.s32 s19, s17  }
0x4c: {  	[hbm4b:s17+s11] =	stream.strided.scatter [tilespmem:s18], [sflag:$0x2], s20, s12, s11, $0x20;
	[tilespmem:$0x10100] =	vst v63  }
.LBB1_8:
0x4d: {  	_ =	sfence.sel $0x180000  }
0x4e: {  	s2 =	simm.s32 $0x1;
	[bflag:$0x0] =	sbarrier.arrive $0xFFFF  }
0x4f: {  	s31 =	simm.s32 $0x2;
	[sflag:s2] =	ssyncpa.u1 $0x1  }
0x50: {  	[sflag:s31] =	ssyncpa.u1 $0x1  }
0x51: {  	p0 =	sne.s32 s0, $0x0;
	_ =	strace $0x9000004A  }
0x52: {  	s0 =	sadd.s32 @!p0 $0x100000, s1;
	[bflag:$0x2] =	sbarrier.arrive $0xFFFF  }
0x53: {  	[sflag:s0] =	ssyncadd.tile.s32 @!p0 $0x1;
	_ =	shalt  }
.Lfunc_end1:
_tile_overlayer_lowered:
.L_overlay_start_2:
0x54: {  	(tag) =	ssettag $0x2  }
0x55: {  	s0 =	rddreg [dreg:$0x0];
	s2 =	stileid.u32  }
0x56: {  	s1 =	rddreg [dreg:$0x1];
	p0 =	sne.s32 s2, $0x0  }
0x57: {  	s3 =	rddreg [dreg:$0x2];
	[bflag:$0x3] =	sbarrier.arrive $0xFFFF;
	s2 =	simm.s32 @!p0 $0x1C01  }
0x58: {  	[timem:s3], [sflag:s2] =	dma.local @!p0 [hbm:s0], s1  }
0x59: {  	s0 =	simm.s32 @!p0 $0x1  }
0x5a: {  	_ =	swait.ge @!p0 [sflag:s0], s1  }
0x5b: {  	s1 =	ssub.s32 @!p0 $0x0, s1;
	[sflag:s0] =	ssyncset.done @!p0 $0x0  }
0x5c: {  	[sflag:s0] =	ssyncadd.s32 @!p0 s1  }
0x5d: {  	[bflag:$0x3] =	sbarrier.arrive $0xFFFF  }
0x5e: {  	_ =	shalt  }

</sc_bundles>
